<compile_context>
chip_gen: v7x
topology: tpu7x:2x2x1
jax: 0.10.2.dev20260603
libtpu: 0.0.44.dev20260713+nightly
codegen_flags: <defaults>
</compile_context>

<pallas_src>
import jax
import jax.numpy as jnp
from jax import lax
from jax.experimental import pallas as pl
from jax.experimental.pallas import tpu as pltpu
from jax.experimental.pallas import tpu_sc as plsc

VOCAB = 100000
MAX_POS = 2048
TYPE_VOCAB = 2
D = 128
EPS = 1e-12
TOKEN_TYPE_SHIFT = 30

NC, NS, L = 2, 16, 16
NW = NC * NS
N_TOK = 8192
T = N_TOK // NW
CHUNK = 128
N_CHUNKS = T // CHUNK
VPT = D // L


def _rsqrt(x):
    i = lax.bitcast_convert_type(x, jnp.int32)
    i = jnp.int32(0x5F3759DF) - lax.shift_right_logical(i, jnp.int32(1))
    y = lax.bitcast_convert_type(i, jnp.float32)
    for _ in range(2):
        y = y * (1.5 - 0.5 * x * y * y)
    return y


def _body(ids_hbm, pos_hbm, word_hbm, posemb_hbm, type_hbm, gamma_hbm,
          beta_hbm, out_hbm, ids_v, pos_v, clean_v, typei_v, acc, posrows,
          trows_v, gamma_v, beta_v, semi, semc, semw, semp, semo):
    wid = lax.axis_index("s") * NC + lax.axis_index("c")
    base = wid * T

    c_ids = pltpu.async_copy(ids_hbm.at[pl.ds(base, T)], ids_v, semi)
    c_pos = pltpu.async_copy(pos_hbm.at[pl.ds(base, T)], pos_v, semi)
    c_g = pltpu.async_copy(gamma_hbm, gamma_v, semc)
    c_b = pltpu.async_copy(beta_hbm, beta_v, semc)
    c_t = pltpu.async_copy(type_hbm, trows_v, semc)
    c_ids.wait()
    c_pos.wait()

    mask = jnp.full((L,), (1 << TOKEN_TYPE_SHIFT) - 1, jnp.int32)

    @plsc.parallel_loop(jnp.int32(0), jnp.int32(T), step=jnp.int32(L),
                        unroll=2)
    def decode(i):
        sl = pl.ds(i, L)
        ids = ids_v[sl]
        clean_v[sl] = lax.bitwise_and(ids, mask)
        typei_v[sl] = lax.shift_right_logical(ids, jnp.int32(TOKEN_TYPE_SHIFT))

    gathers = []
    for j in range(N_CHUNKS):
        sl = pl.ds(j * CHUNK, CHUNK)
        gathers.append((
            pltpu.async_copy(word_hbm.at[clean_v.at[sl]], acc.at[sl, :],
                             semw),
            pltpu.async_copy(posemb_hbm.at[pos_v.at[sl]], posrows.at[sl, :],
                             semp),
        ))
    c_g.wait()
    c_b.wait()
    c_t.wait()

    gamma = [gamma_v[pl.ds(k * L, L)] for k in range(VPT)]
    beta = [beta_v[pl.ds(k * L, L)] for k in range(VPT)]

    outs = []
    for j in range(N_CHUNKS):
        gw, gp = gathers[j]
        gw.wait()
        gp.wait()

        @plsc.parallel_loop(jnp.int32(j * CHUNK), jnp.int32((j + 1) * CHUNK),
                            step=jnp.int32(1), unroll=2)
        def ln(t):
            tbi = typei_v[pl.ds(t, L)][0]
            x = [acc[t, pl.ds(k * L, L)] + posrows[t, pl.ds(k * L, L)]
                 + trows_v[tbi, pl.ds(k * L, L)] for k in range(VPT)]
            s = x[0]
            q = x[0] * x[0]
            for k in range(1, VPT):
                s = s + x[k]
                q = q + x[k] * x[k]
            mean = jnp.full((L,), jnp.sum(s) * (1.0 / D), jnp.float32)
            ex2 = jnp.full((L,), jnp.sum(q) * (1.0 / D), jnp.float32)
            inv = _rsqrt(ex2 - mean * mean + EPS)
            for k in range(VPT):
                acc[t, pl.ds(k * L, L)] = (x[k] - mean) * inv * gamma[k] \
                    + beta[k]

        sl = pl.ds(j * CHUNK, CHUNK)
        outs.append(pltpu.async_copy(
            acc.at[sl, :], out_hbm.at[pl.ds(base + j * CHUNK, CHUNK), :],
            semo))
    for c in outs:
        c.wait()


@jax.jit
def _emb_ln(ids, pos, word_emb, pos_emb, type_emb, ln_gamma, ln_beta):
    mesh = plsc.VectorSubcoreMesh(core_axis_name="c", subcore_axis_name="s",
                                  num_cores=NC, num_subcores=NS)
    return pl.kernel(
        _body,
        out_type=jax.ShapeDtypeStruct((N_TOK, D), jnp.float32),
        mesh=mesh,
        compiler_params=pltpu.CompilerParams(needs_layout_passes=False),
        scratch_types=[
            pltpu.VMEM((T,), jnp.int32),
            pltpu.VMEM((T,), jnp.int32),
            pltpu.VMEM((T,), jnp.int32),
            pltpu.VMEM((T + L,), jnp.int32),
            pltpu.VMEM((T, D), jnp.float32),
            pltpu.VMEM((T, D), jnp.float32),
            pltpu.VMEM((TYPE_VOCAB, D), jnp.float32),
            pltpu.VMEM((D,), jnp.float32),
            pltpu.VMEM((D,), jnp.float32),
            pltpu.SemaphoreType.DMA,
            pltpu.SemaphoreType.DMA,
            pltpu.SemaphoreType.DMA,
            pltpu.SemaphoreType.DMA,
            pltpu.SemaphoreType.DMA,
        ],
    )(ids, pos, word_emb, pos_emb, type_emb, ln_gamma, ln_beta)


def kernel(input_ids, position_ids, word_emb, pos_emb, type_emb, ln_gamma,
           ln_beta):
    B, S = input_ids.shape
    ids = input_ids.reshape(-1).astype(jnp.int32)
    pos = position_ids.reshape(-1).astype(jnp.int32)
    out = _emb_ln(ids, pos, word_emb, pos_emb, type_emb, ln_gamma, ln_beta)
    return out.reshape(B, S, D)

# --- scband reference (transcript-rebuilt; emitter-appended) ---
"""Pipeline reference for scband-bert-embedding-11416023073388 (READ-ONLY COPY).

The authoritative reference and input builder live on the scoring server;
editing this copy changes nothing except your own understanding.
"""

import jax
jax.config.update('jax_enable_x64', True)
import jax.numpy as jnp
import numpy as np

VOCAB = 100000
MAX_POS = 2048
TYPE_VOCAB = 2
D = 128
B = 4
S = 2048
EPS = 1e-12
TOKEN_TYPE_SHIFT = 30


def setup_inputs(seed: int = 0) -> dict:
    key = jax.random.key(seed)
    ks = jax.random.split(key, 7)
    input_ids = jax.random.randint(ks[0], (B, S), 0, VOCAB, dtype=jnp.int64)
    position_ids = jax.random.randint(ks[1], (B, S), 0, MAX_POS, dtype=jnp.int64)
    word_emb = jax.random.normal(ks[2], (VOCAB, D), dtype=jnp.float32) * 0.02
    pos_emb = jax.random.normal(ks[3], (MAX_POS, D), dtype=jnp.float32) * 0.02
    type_emb = jax.random.normal(ks[4], (TYPE_VOCAB, D), dtype=jnp.float32) * 0.02
    ln_gamma = jnp.ones((D,), dtype=jnp.float32)
    ln_beta = jnp.zeros((D,), dtype=jnp.float32)
    return {
        'input_ids': input_ids,
        'position_ids': position_ids,
        'word_emb': word_emb,
        'pos_emb': pos_emb,
        'type_emb': type_emb,
        'ln_gamma': ln_gamma,
        'ln_beta': ln_beta,
    }


def _layer_norm(x, gamma, beta, eps):
    mean = jnp.mean(x, axis=-1, keepdims=True)
    var = jnp.mean(jnp.square(x - mean), axis=-1, keepdims=True)
    return gamma * (x - mean) / jnp.sqrt(var + eps) + beta


def reference(input_ids, position_ids, word_emb, pos_emb, type_emb, ln_gamma, ln_beta):
    # _decode_token_type_ids: token type packed into bit TOKEN_TYPE_SHIFT of input_ids
    ids_mask = jnp.left_shift(jnp.ones_like(input_ids), TOKEN_TYPE_SHIFT)
    tokens_mask = jnp.bitwise_not(ids_mask)
    token_type_ids = jnp.right_shift(jnp.bitwise_and(input_ids, ids_mask), TOKEN_TYPE_SHIFT)
    clean_ids = jnp.bitwise_and(input_ids, tokens_mask)
    inputs_embeds = jnp.take(word_emb, clean_ids, axis=0)
    position_embeddings = jnp.take(pos_emb, position_ids, axis=0)
    token_type_embeddings = jnp.take(type_emb, token_type_ids, axis=0)
    embeddings = inputs_embeds + token_type_embeddings + position_embeddings
    embeddings = _layer_norm(embeddings, ln_gamma, ln_beta, EPS)
    return embeddings

if __name__ == "__main__":
    import jax
    _d = setup_inputs()
    print(jax.jit(kernel)(*tuple(_d.values())))

</pallas_src>

<mosaic_0001>
#map = affine_map<(d0, d1) -> (0)>
#map1 = affine_map<(d0, d1) -> (0, 0)>
module attributes {stable_mosaic.version = 14 : i64} {
  func.func @_body(%arg0: i32, %arg1: i32, %arg2: memref<8192xi32, #tpu.memory_space<hbm>>, %arg3: memref<8192xi32, #tpu.memory_space<hbm>>, %arg4: memref<100000x128xf32, #tpu.memory_space<hbm>>, %arg5: memref<2048x128xf32, #tpu.memory_space<hbm>>, %arg6: memref<2x128xf32, #tpu.memory_space<hbm>>, %arg7: memref<128xf32, #tpu.memory_space<hbm>>, %arg8: memref<128xf32, #tpu.memory_space<hbm>>, %arg9: memref<8192x128xf32, #tpu.memory_space<hbm>>, %arg10: memref<256xi32, #tpu.memory_space<vmem>>, %arg11: memref<256xi32, #tpu.memory_space<vmem>>, %arg12: memref<256xi32, #tpu.memory_space<vmem>>, %arg13: memref<272xi32, #tpu.memory_space<vmem>>, %arg14: memref<256x128xf32, #tpu.memory_space<vmem>>, %arg15: memref<256x128xf32, #tpu.memory_space<vmem>>, %arg16: memref<2x128xf32, #tpu.memory_space<vmem>>, %arg17: memref<128xf32, #tpu.memory_space<vmem>>, %arg18: memref<128xf32, #tpu.memory_space<vmem>>, %arg19: memref<!tpu.dma_semaphore, #tpu.memory_space<semaphore_mem>>, %arg20: memref<!tpu.dma_semaphore, #tpu.memory_space<semaphore_mem>>, %arg21: memref<!tpu.dma_semaphore, #tpu.memory_space<semaphore_mem>>, %arg22: memref<!tpu.dma_semaphore, #tpu.memory_space<semaphore_mem>>, %arg23: memref<!tpu.dma_semaphore, #tpu.memory_space<semaphore_mem>>) attributes {dimension_semantics = [#tpu.dimension_semantics<core_parallel>, #tpu.dimension_semantics<subcore_parallel>], iteration_bounds = array<i64: 2, 16>, scalar_prefetch = 0 : i64, scratch_operands = 14 : i64, tpu.core_type = #tpu.core_type<sc_vector_subcore>, window_params = [{transform_indices = #map}, {transform_indices = #map}, {transform_indices = #map1}, {transform_indices = #map1}, {transform_indices = #map1}, {transform_indices = #map}, {transform_indices = #map}, {transform_indices = #map1}]} {
    %mul3A = arith.constant 2 : i32
    %mul3A_0 = arith.muli %arg1, %mul3A : i32
    %add3A = arith.addi %mul3A_0, %arg0 : i32
    %mul3A_1 = arith.constant 256 : i32
    %mul3A_2 = arith.muli %add3A, %mul3A_1 : i32
    %dma_start3A = tpu.memref_slice %arg2[%mul3A_2] : memref<8192xi32, #tpu.memory_space<hbm>> -> memref<256xi32, #tpu.memory_space<hbm>>
    %dma_start3A_3 = tpu.memref_slice %arg2[%mul3A_2] : memref<8192xi32, #tpu.memory_space<hbm>> -> memref<256xi32, #tpu.memory_space<hbm>>
    tpu.enqueue_dma source(%dma_start3A_3 : memref<256xi32, #tpu.memory_space<hbm>>) target(%arg10 : memref<256xi32, #tpu.memory_space<vmem>>) target_semaphore(%arg19 : memref<!tpu.dma_semaphore, #tpu.memory_space<semaphore_mem>>)
    %dma_start3A_4 = tpu.memref_slice %arg3[%mul3A_2] : memref<8192xi32, #tpu.memory_space<hbm>> -> memref<256xi32, #tpu.memory_space<hbm>>
    %dma_start3A_5 = tpu.memref_slice %arg3[%mul3A_2] : memref<8192xi32, #tpu.memory_space<hbm>> -> memref<256xi32, #tpu.memory_space<hbm>>
    tpu.enqueue_dma source(%dma_start3A_5 : memref<256xi32, #tpu.memory_space<hbm>>) target(%arg11 : memref<256xi32, #tpu.memory_space<vmem>>) target_semaphore(%arg19 : memref<!tpu.dma_semaphore, #tpu.memory_space<semaphore_mem>>)
    tpu.enqueue_dma source(%arg7 : memref<128xf32, #tpu.memory_space<hbm>>) target(%arg17 : memref<128xf32, #tpu.memory_space<vmem>>) target_semaphore(%arg20 : memref<!tpu.dma_semaphore, #tpu.memory_space<semaphore_mem>>)
    tpu.enqueue_dma source(%arg8 : memref<128xf32, #tpu.memory_space<hbm>>) target(%arg18 : memref<128xf32, #tpu.memory_space<vmem>>) target_semaphore(%arg20 : memref<!tpu.dma_semaphore, #tpu.memory_space<semaphore_mem>>)
    tpu.enqueue_dma source(%arg6 : memref<2x128xf32, #tpu.memory_space<hbm>>) target(%arg16 : memref<2x128xf32, #tpu.memory_space<vmem>>) target_semaphore(%arg20 : memref<!tpu.dma_semaphore, #tpu.memory_space<semaphore_mem>>)
    %dma_wait3A = tpu.memref_slice %arg2[%mul3A_2] : memref<8192xi32, #tpu.memory_space<hbm>> -> memref<256xi32, #tpu.memory_space<hbm>>
    %dma_wait3A_6 = tpu.memref_slice %arg2[%mul3A_2] : memref<8192xi32, #tpu.memory_space<hbm>> -> memref<256xi32, #tpu.memory_space<hbm>>
    tpu.wait_dma2 semaphore(%arg19 : memref<!tpu.dma_semaphore, #tpu.memory_space<semaphore_mem>>) src(%dma_wait3A_6 : memref<256xi32, #tpu.memory_space<hbm>>) dst(%arg10 : memref<256xi32, #tpu.memory_space<vmem>>)
    %dma_wait3A_7 = tpu.memref_slice %arg3[%mul3A_2] : memref<8192xi32, #tpu.memory_space<hbm>> -> memref<256xi32, #tpu.memory_space<hbm>>
    %dma_wait3A_8 = tpu.memref_slice %arg3[%mul3A_2] : memref<8192xi32, #tpu.memory_space<hbm>> -> memref<256xi32, #tpu.memory_space<hbm>>
    tpu.wait_dma2 semaphore(%arg19 : memref<!tpu.dma_semaphore, #tpu.memory_space<semaphore_mem>>) src(%dma_wait3A_8 : memref<256xi32, #tpu.memory_space<hbm>>) dst(%arg11 : memref<256xi32, #tpu.memory_space<vmem>>)
    %broadcast_in_dim3A = arith.constant 1073741823 : i32
    %broadcast_in_dim3A_9 = vector.broadcast %broadcast_in_dim3A : i32 to vector<16xi32>
    %parallel_loop3A = arith.constant 0 : i32
    %parallel_loop3A_10 = arith.constant 256 : i32
    %parallel_loop3A_11 = arith.constant 16 : i32
    scf.for %parallel_loop3A_157 = %parallel_loop3A to %parallel_loop3A_10 step %parallel_loop3A_11  : i32 {
      %parallel_loop3A_158 = arith.index_cast %parallel_loop3A_157 : i32 to index
      %parallel_loop3A_159 = tpu.vector_load %arg10[%parallel_loop3A_158] {strides = array<i32>} : memref<256xi32, #tpu.memory_space<vmem>>, vector<16xi32>,
      %parallel_loop3A_160 = arith.andi %parallel_loop3A_159, %broadcast_in_dim3A_9 : vector<16xi32>
      %parallel_loop3A_161 = arith.index_cast %parallel_loop3A_157 : i32 to index
      %parallel_loop3A_162 = tpu.vector_load %arg12[%parallel_loop3A_161] {strides = array<i32>} : memref<256xi32, #tpu.memory_space<vmem>>, vector<16xi32>,
      tpu.vector_store %arg12[%parallel_loop3A_161], %parallel_loop3A_160 {strides = array<i32>} : memref<256xi32, #tpu.memory_space<vmem>>, vector<16xi32>,
      %parallel_loop3A_163 = arith.constant 30 : i32
      %parallel_loop3A_164 = vector.broadcast %parallel_loop3A_163 : i32 to vector<16xi32>
      %parallel_loop3A_165 = arith.shrui %parallel_loop3A_159, %parallel_loop3A_164 : vector<16xi32>
      %parallel_loop3A_166 = arith.index_cast %parallel_loop3A_157 : i32 to index
      %parallel_loop3A_167 = tpu.vector_load %arg13[%parallel_loop3A_166] {strides = array<i32>} : memref<272xi32, #tpu.memory_space<vmem>>, vector<16xi32>,
      tpu.vector_store %arg13[%parallel_loop3A_166], %parallel_loop3A_165 {strides = array<i32>} : memref<272xi32, #tpu.memory_space<vmem>>, vector<16xi32>,
    } {sc.loop_unroll_factor = 2 : i64, sc.parallel_access}
    %dma_start3A_12 = arith.constant 0 : i32
    %dma_start3A_13 = arith.constant 0 : i32
    %dma_start3A_14 = tpu.memref_slice %arg14[%dma_start3A_12, %dma_start3A_13] : memref<256x128xf32, #tpu.memory_space<vmem>> -> memref<128x128xf32, #tpu.memory_space<vmem>>
    %dma_start3A_15 = arith.constant 0 : i32
    %dma_start3A_16 = tpu.memref_slice %arg12[%dma_start3A_15] : memref<256xi32, #tpu.memory_space<vmem>> -> memref<128xi32, #tpu.memory_space<vmem>>
    %dma_start3A_17 = arith.constant 0 : i32
    %dma_start3A_18 = arith.constant 0 : i32
    %dma_start3A_19 = tpu.memref_slice %arg4[%dma_start3A_17, %dma_start3A_18] : memref<100000x128xf32, #tpu.memory_space<hbm>> -> memref<100000x128xf32, #tpu.memory_space<hbm>>
    tpu.enqueue_indirect_dma source(%dma_start3A_19 : memref<100000x128xf32, #tpu.memory_space<hbm>>) target(%dma_start3A_14 : memref<128x128xf32, #tpu.memory_space<vmem>>) offsets(%dma_start3A_16 : memref<128xi32, #tpu.memory_space<vmem>>) semaphore(%arg21 : memref<!tpu.dma_semaphore, #tpu.memory_space<semaphore_mem>>)
    %dma_start3A_20 = arith.constant 0 : i32
    %dma_start3A_21 = arith.constant 0 : i32
    %dma_start3A_22 = tpu.memref_slice %arg15[%dma_start3A_20, %dma_start3A_21] : memref<256x128xf32, #tpu.memory_space<vmem>> -> memref<128x128xf32, #tpu.memory_space<vmem>>
    %dma_start3A_23 = arith.constant 0 : i32
    %dma_start3A_24 = tpu.memref_slice %arg11[%dma_start3A_23] : memref<256xi32, #tpu.memory_space<vmem>> -> memref<128xi32, #tpu.memory_space<vmem>>
    %dma_start3A_25 = arith.constant 0 : i32
    %dma_start3A_26 = arith.constant 0 : i32
    %dma_start3A_27 = tpu.memref_slice %arg5[%dma_start3A_25, %dma_start3A_26] : memref<2048x128xf32, #tpu.memory_space<hbm>> -> memref<2048x128xf32, #tpu.memory_space<hbm>>
    tpu.enqueue_indirect_dma source(%dma_start3A_27 : memref<2048x128xf32, #tpu.memory_space<hbm>>) target(%dma_start3A_22 : memref<128x128xf32, #tpu.memory_space<vmem>>) offsets(%dma_start3A_24 : memref<128xi32, #tpu.memory_space<vmem>>) semaphore(%arg22 : memref<!tpu.dma_semaphore, #tpu.memory_space<semaphore_mem>>)
    %dma_start3A_28 = arith.constant 128 : i32
    %dma_start3A_29 = arith.constant 0 : i32
    %dma_start3A_30 = tpu.memref_slice %arg14[%dma_start3A_28, %dma_start3A_29] : memref<256x128xf32, #tpu.memory_space<vmem>> -> memref<128x128xf32, #tpu.memory_space<vmem>>
    %dma_start3A_31 = arith.constant 128 : i32
    %dma_start3A_32 = tpu.memref_slice %arg12[%dma_start3A_31] : memref<256xi32, #tpu.memory_space<vmem>> -> memref<128xi32, #tpu.memory_space<vmem>>
    %dma_start3A_33 = arith.constant 0 : i32
    %dma_start3A_34 = arith.constant 0 : i32
    %dma_start3A_35 = tpu.memref_slice %arg4[%dma_start3A_33, %dma_start3A_34] : memref<100000x128xf32, #tpu.memory_space<hbm>> -> memref<100000x128xf32, #tpu.memory_space<hbm>>
    tpu.enqueue_indirect_dma source(%dma_start3A_35 : memref<100000x128xf32, #tpu.memory_space<hbm>>) target(%dma_start3A_30 : memref<128x128xf32, #tpu.memory_space<vmem>>) offsets(%dma_start3A_32 : memref<128xi32, #tpu.memory_space<vmem>>) semaphore(%arg21 : memref<!tpu.dma_semaphore, #tpu.memory_space<semaphore_mem>>)
    %dma_start3A_36 = arith.constant 128 : i32
    %dma_start3A_37 = arith.constant 0 : i32
    %dma_start3A_38 = tpu.memref_slice %arg15[%dma_start3A_36, %dma_start3A_37] : memref<256x128xf32, #tpu.memory_space<vmem>> -> memref<128x128xf32, #tpu.memory_space<vmem>>
    %dma_start3A_39 = arith.constant 128 : i32
    %dma_start3A_40 = tpu.memref_slice %arg11[%dma_start3A_39] : memref<256xi32, #tpu.memory_space<vmem>> -> memref<128xi32, #tpu.memory_space<vmem>>
    %dma_start3A_41 = arith.constant 0 : i32
    %dma_start3A_42 = arith.constant 0 : i32
    %dma_start3A_43 = tpu.memref_slice %arg5[%dma_start3A_41, %dma_start3A_42] : memref<2048x128xf32, #tpu.memory_space<hbm>> -> memref<2048x128xf32, #tpu.memory_space<hbm>>
    tpu.enqueue_indirect_dma source(%dma_start3A_43 : memref<2048x128xf32, #tpu.memory_space<hbm>>) target(%dma_start3A_38 : memref<128x128xf32, #tpu.memory_space<vmem>>) offsets(%dma_start3A_40 : memref<128xi32, #tpu.memory_space<vmem>>) semaphore(%arg22 : memref<!tpu.dma_semaphore, #tpu.memory_space<semaphore_mem>>)
    tpu.wait_dma2 semaphore(%arg20 : memref<!tpu.dma_semaphore, #tpu.memory_space<semaphore_mem>>) src(%arg7 : memref<128xf32, #tpu.memory_space<hbm>>) dst(%arg17 : memref<128xf32, #tpu.memory_space<vmem>>)
    tpu.wait_dma2 semaphore(%arg20 : memref<!tpu.dma_semaphore, #tpu.memory_space<semaphore_mem>>) src(%arg8 : memref<128xf32, #tpu.memory_space<hbm>>) dst(%arg18 : memref<128xf32, #tpu.memory_space<vmem>>)
    tpu.wait_dma2 semaphore(%arg20 : memref<!tpu.dma_semaphore, #tpu.memory_space<semaphore_mem>>) src(%arg6 : memref<2x128xf32, #tpu.memory_space<hbm>>) dst(%arg16 : memref<2x128xf32, #tpu.memory_space<vmem>>)
    %get3A = arith.constant 0 : index
    %get3A_44 = tpu.vector_load %arg17[%get3A] {strides = array<i32>} : memref<128xf32, #tpu.memory_space<vmem>>, vector<16xf32>,
    %get3A_45 = arith.constant 16 : index
    %get3A_46 = tpu.vector_load %arg17[%get3A_45] {strides = array<i32>} : memref<128xf32, #tpu.memory_space<vmem>>, vector<16xf32>,
    %get3A_47 = arith.constant 32 : index
    %get3A_48 = tpu.vector_load %arg17[%get3A_47] {strides = array<i32>} : memref<128xf32, #tpu.memory_space<vmem>>, vector<16xf32>,
    %get3A_49 = arith.constant 48 : index
    %get3A_50 = tpu.vector_load %arg17[%get3A_49] {strides = array<i32>} : memref<128xf32, #tpu.memory_space<vmem>>, vector<16xf32>,
    %get3A_51 = arith.constant 64 : index
    %get3A_52 = tpu.vector_load %arg17[%get3A_51] {strides = array<i32>} : memref<128xf32, #tpu.memory_space<vmem>>, vector<16xf32>,
    %get3A_53 = arith.constant 80 : index
    %get3A_54 = tpu.vector_load %arg17[%get3A_53] {strides = array<i32>} : memref<128xf32, #tpu.memory_space<vmem>>, vector<16xf32>,
    %get3A_55 = arith.constant 96 : index
    %get3A_56 = tpu.vector_load %arg17[%get3A_55] {strides = array<i32>} : memref<128xf32, #tpu.memory_space<vmem>>, vector<16xf32>,
    %get3A_57 = arith.constant 112 : index
    %get3A_58 = tpu.vector_load %arg17[%get3A_57] {strides = array<i32>} : memref<128xf32, #tpu.memory_space<vmem>>, vector<16xf32>,
    %get3A_59 = arith.constant 0 : index
    %get3A_60 = tpu.vector_load %arg18[%get3A_59] {strides = array<i32>} : memref<128xf32, #tpu.memory_space<vmem>>, vector<16xf32>,
    %get3A_61 = arith.constant 16 : index
    %get3A_62 = tpu.vector_load %arg18[%get3A_61] {strides = array<i32>} : memref<128xf32, #tpu.memory_space<vmem>>, vector<16xf32>,
    %get3A_63 = arith.constant 32 : index
    %get3A_64 = tpu.vector_load %arg18[%get3A_63] {strides = array<i32>} : memref<128xf32, #tpu.memory_space<vmem>>, vector<16xf32>,
    %get3A_65 = arith.constant 48 : index
    %get3A_66 = tpu.vector_load %arg18[%get3A_65] {strides = array<i32>} : memref<128xf32, #tpu.memory_space<vmem>>, vector<16xf32>,
    %get3A_67 = arith.constant 64 : index
    %get3A_68 = tpu.vector_load %arg18[%get3A_67] {strides = array<i32>} : memref<128xf32, #tpu.memory_space<vmem>>, vector<16xf32>,
    %get3A_69 = arith.constant 80 : index
    %get3A_70 = tpu.vector_load %arg18[%get3A_69] {strides = array<i32>} : memref<128xf32, #tpu.memory_space<vmem>>, vector<16xf32>,
    %get3A_71 = arith.constant 96 : index
    %get3A_72 = tpu.vector_load %arg18[%get3A_71] {strides = array<i32>} : memref<128xf32, #tpu.memory_space<vmem>>, vector<16xf32>,
    %get3A_73 = arith.constant 112 : index
    %get3A_74 = tpu.vector_load %arg18[%get3A_73] {strides = array<i32>} : memref<128xf32, #tpu.memory_space<vmem>>, vector<16xf32>,
    %dma_wait3A_75 = arith.constant 0 : i32
    %dma_wait3A_76 = arith.constant 0 : i32
    %dma_wait3A_77 = tpu.memref_slice %arg14[%dma_wait3A_75, %dma_wait3A_76] : memref<256x128xf32, #tpu.memory_space<vmem>> -> memref<128x128xf32, #tpu.memory_space<vmem>>
    %dma_wait3A_78 = arith.constant 0 : i32
    %dma_wait3A_79 = tpu.memref_slice %arg12[%dma_wait3A_78] : memref<256xi32, #tpu.memory_space<vmem>> -> memref<128xi32, #tpu.memory_space<vmem>>
    %dma_wait3A_80 = arith.constant 0 : i32
    %dma_wait3A_81 = arith.constant 0 : i32
    %dma_wait3A_82 = tpu.memref_slice %arg4[%dma_wait3A_80, %dma_wait3A_81] : memref<100000x128xf32, #tpu.memory_space<hbm>> -> memref<100000x128xf32, #tpu.memory_space<hbm>>
    tpu.wait_indirect_dma semaphore(%arg21 : memref<!tpu.dma_semaphore, #tpu.memory_space<semaphore_mem>>) src(%dma_wait3A_82 : memref<100000x128xf32, #tpu.memory_space<hbm>>) dst(%dma_wait3A_77 : memref<128x128xf32, #tpu.memory_space<vmem>>)
    %dma_wait3A_83 = arith.constant 0 : i32
    %dma_wait3A_84 = arith.constant 0 : i32
    %dma_wait3A_85 = tpu.memref_slice %arg15[%dma_wait3A_83, %dma_wait3A_84] : memref<256x128xf32, #tpu.memory_space<vmem>> -> memref<128x128xf32, #tpu.memory_space<vmem>>
    %dma_wait3A_86 = arith.constant 0 : i32
    %dma_wait3A_87 = tpu.memref_slice %arg11[%dma_wait3A_86] : memref<256xi32, #tpu.memory_space<vmem>> -> memref<128xi32, #tpu.memory_space<vmem>>
    %dma_wait3A_88 = arith.constant 0 : i32
    %dma_wait3A_89 = arith.constant 0 : i32
    %dma_wait3A_90 = tpu.memref_slice %arg5[%dma_wait3A_88, %dma_wait3A_89] : memref<2048x128xf32, #tpu.memory_space<hbm>> -> memref<2048x128xf32, #tpu.memory_space<hbm>>
    tpu.wait_indirect_dma semaphore(%arg22 : memref<!tpu.dma_semaphore, #tpu.memory_space<semaphore_mem>>) src(%dma_wait3A_90 : memref<2048x128xf32, #tpu.memory_space<hbm>>) dst(%dma_wait3A_85 : memref<128x128xf32, #tpu.memory_space<vmem>>)
    %parallel_loop3A_91 = arith.constant 0 : i32
    %parallel_loop3A_92 = arith.constant 128 : i32
    %parallel_loop3A_93 = arith.constant 1 : i32
    scf.for %parallel_loop3A_157 = %parallel_loop3A_91 to %parallel_loop3A_92 step %parallel_loop3A_93  : i32 {
      %parallel_loop3A_158 = arith.index_cast %parallel_loop3A_157 : i32 to index
      %parallel_loop3A_159 = tpu.vector_load %arg13[%parallel_loop3A_158] {strides = array<i32>} : memref<272xi32, #tpu.memory_space<vmem>>, vector<16xi32>,
      %parallel_loop3A_160 = vector.extract_strided_slice %parallel_loop3A_159 {offsets = [0], sizes = [1], strides = [1]} : vector<16xi32> to vector<1xi32>
      %parallel_loop3A_161 = vector.extract %parallel_loop3A_160[0] : i32 from vector<1xi32>
      %parallel_loop3A_162 = arith.index_cast %parallel_loop3A_157 : i32 to index
      %parallel_loop3A_163 = arith.constant 0 : index
      %parallel_loop3A_164 = tpu.vector_load %arg14[%parallel_loop3A_162, %parallel_loop3A_163] {strides = array<i32>} : memref<256x128xf32, #tpu.memory_space<vmem>>, vector<16xf32>,
      %parallel_loop3A_165 = arith.index_cast %parallel_loop3A_157 : i32 to index
      %parallel_loop3A_166 = arith.constant 0 : index
      %parallel_loop3A_167 = tpu.vector_load %arg15[%parallel_loop3A_165, %parallel_loop3A_166] {strides = array<i32>} : memref<256x128xf32, #tpu.memory_space<vmem>>, vector<16xf32>,
      %parallel_loop3A_168 = arith.addf %parallel_loop3A_164, %parallel_loop3A_167 : vector<16xf32>
      %parallel_loop3A_169 = arith.index_cast %parallel_loop3A_161 : i32 to index
      %parallel_loop3A_170 = arith.constant 0 : index
      %parallel_loop3A_171 = tpu.vector_load %arg16[%parallel_loop3A_169, %parallel_loop3A_170] {strides = array<i32>} : memref<2x128xf32, #tpu.memory_space<vmem>>, vector<16xf32>,
      %parallel_loop3A_172 = arith.addf %parallel_loop3A_168, %parallel_loop3A_171 : vector<16xf32>
      %parallel_loop3A_173 = arith.index_cast %parallel_loop3A_157 : i32 to index
      %parallel_loop3A_174 = arith.constant 16 : index
      %parallel_loop3A_175 = tpu.vector_load %arg14[%parallel_loop3A_173, %parallel_loop3A_174] {strides = array<i32>} : memref<256x128xf32, #tpu.memory_space<vmem>>, vector<16xf32>,
      %parallel_loop3A_176 = arith.index_cast %parallel_loop3A_157 : i32 to index
      %parallel_loop3A_177 = arith.constant 16 : index
      %parallel_loop3A_178 = tpu.vector_load %arg15[%parallel_loop3A_176, %parallel_loop3A_177] {strides = array<i32>} : memref<256x128xf32, #tpu.memory_space<vmem>>, vector<16xf32>,
      %parallel_loop3A_179 = arith.addf %parallel_loop3A_175, %parallel_loop3A_178 : vector<16xf32>
      %parallel_loop3A_180 = arith.index_cast %parallel_loop3A_161 : i32 to index
      %parallel_loop3A_181 = arith.constant 16 : index
      %parallel_loop3A_182 = tpu.vector_load %arg16[%parallel_loop3A_180, %parallel_loop3A_181] {strides = array<i32>} : memref<2x128xf32, #tpu.memory_space<vmem>>, vector<16xf32>,
      %parallel_loop3A_183 = arith.addf %parallel_loop3A_179, %parallel_loop3A_182 : vector<16xf32>
      %parallel_loop3A_184 = arith.index_cast %parallel_loop3A_157 : i32 to index
      %parallel_loop3A_185 = arith.constant 32 : index
      %parallel_loop3A_186 = tpu.vector_load %arg14[%parallel_loop3A_184, %parallel_loop3A_185] {strides = array<i32>} : memref<256x128xf32, #tpu.memory_space<vmem>>, vector<16xf32>,
      %parallel_loop3A_187 = arith.index_cast %parallel_loop3A_157 : i32 to index
      %parallel_loop3A_188 = arith.constant 32 : index
      %parallel_loop3A_189 = tpu.vector_load %arg15[%parallel_loop3A_187, %parallel_loop3A_188] {strides = array<i32>} : memref<256x128xf32, #tpu.memory_space<vmem>>, vector<16xf32>,
      %parallel_loop3A_190 = arith.addf %parallel_loop3A_186, %parallel_loop3A_189 : vector<16xf32>
      %parallel_loop3A_191 = arith.index_cast %parallel_loop3A_161 : i32 to index
      %parallel_loop3A_192 = arith.constant 32 : index
      %parallel_loop3A_193 = tpu.vector_load %arg16[%parallel_loop3A_191, %parallel_loop3A_192] {strides = array<i32>} : memref<2x128xf32, #tpu.memory_space<vmem>>, vector<16xf32>,
      %parallel_loop3A_194 = arith.addf %parallel_loop3A_190, %parallel_loop3A_193 : vector<16xf32>
      %parallel_loop3A_195 = arith.index_cast %parallel_loop3A_157 : i32 to index
      %parallel_loop3A_196 = arith.constant 48 : index
      %parallel_loop3A_197 = tpu.vector_load %arg14[%parallel_loop3A_195, %parallel_loop3A_196] {strides = array<i32>} : memref<256x128xf32, #tpu.memory_space<vmem>>, vector<16xf32>,
      %parallel_loop3A_198 = arith.index_cast %parallel_loop3A_157 : i32 to index
      %parallel_loop3A_199 = arith.constant 48 : index
      %parallel_loop3A_200 = tpu.vector_load %arg15[%parallel_loop3A_198, %parallel_loop3A_199] {strides = array<i32>} : memref<256x128xf32, #tpu.memory_space<vmem>>, vector<16xf32>,
      %parallel_loop3A_201 = arith.addf %parallel_loop3A_197, %parallel_loop3A_200 : vector<16xf32>
      %parallel_loop3A_202 = arith.index_cast %parallel_loop3A_161 : i32 to index
      %parallel_loop3A_203 = arith.constant 48 : index
      %parallel_loop3A_204 = tpu.vector_load %arg16[%parallel_loop3A_202, %parallel_loop3A_203] {strides = array<i32>} : memref<2x128xf32, #tpu.memory_space<vmem>>, vector<16xf32>,
      %parallel_loop3A_205 = arith.addf %parallel_loop3A_201, %parallel_loop3A_204 : vector<16xf32>
      %parallel_loop3A_206 = arith.index_cast %parallel_loop3A_157 : i32 to index
      %parallel_loop3A_207 = arith.constant 64 : index
      %parallel_loop3A_208 = tpu.vector_load %arg14[%parallel_loop3A_206, %parallel_loop3A_207] {strides = array<i32>} : memref<256x128xf32, #tpu.memory_space<vmem>>, vector<16xf32>,
      %parallel_loop3A_209 = arith.index_cast %parallel_loop3A_157 : i32 to index
      %parallel_loop3A_210 = arith.constant 64 : index
      %parallel_loop3A_211 = tpu.vector_load %arg15[%parallel_loop3A_209, %parallel_loop3A_210] {strides = array<i32>} : memref<256x128xf32, #tpu.memory_space<vmem>>, vector<16xf32>,
      %parallel_loop3A_212 = arith.addf %parallel_loop3A_208, %parallel_loop3A_211 : vector<16xf32>
      %parallel_loop3A_213 = arith.index_cast %parallel_loop3A_161 : i32 to index
      %parallel_loop3A_214 = arith.constant 64 : index
      %parallel_loop3A_215 = tpu.vector_load %arg16[%parallel_loop3A_213, %parallel_loop3A_214] {strides = array<i32>} : memref<2x128xf32, #tpu.memory_space<vmem>>, vector<16xf32>,
      %parallel_loop3A_216 = arith.addf %parallel_loop3A_212, %parallel_loop3A_215 : vector<16xf32>
      %parallel_loop3A_217 = arith.index_cast %parallel_loop3A_157 : i32 to index
      %parallel_loop3A_218 = arith.constant 80 : index
      %parallel_loop3A_219 = tpu.vector_load %arg14[%parallel_loop3A_217, %parallel_loop3A_218] {strides = array<i32>} : memref<256x128xf32, #tpu.memory_space<vmem>>, vector<16xf32>,
      %parallel_loop3A_220 = arith.index_cast %parallel_loop3A_157 : i32 to index
      %parallel_loop3A_221 = arith.constant 80 : index
      %parallel_loop3A_222 = tpu.vector_load %arg15[%parallel_loop3A_220, %parallel_loop3A_221] {strides = array<i32>} : memref<256x128xf32, #tpu.memory_space<vmem>>, vector<16xf32>,
      %parallel_loop3A_223 = arith.addf %parallel_loop3A_219, %parallel_loop3A_222 : vector<16xf32>
      %parallel_loop3A_224 = arith.index_cast %parallel_loop3A_161 : i32 to index
      %parallel_loop3A_225 = arith.constant 80 : index
      %parallel_loop3A_226 = tpu.vector_load %arg16[%parallel_loop3A_224, %parallel_loop3A_225] {strides = array<i32>} : memref<2x128xf32, #tpu.memory_space<vmem>>, vector<16xf32>,
      %parallel_loop3A_227 = arith.addf %parallel_loop3A_223, %parallel_loop3A_226 : vector<16xf32>
      %parallel_loop3A_228 = arith.index_cast %parallel_loop3A_157 : i32 to index
      %parallel_loop3A_229 = arith.constant 96 : index
      %parallel_loop3A_230 = tpu.vector_load %arg14[%parallel_loop3A_228, %parallel_loop3A_229] {strides = array<i32>} : memref<256x128xf32, #tpu.memory_space<vmem>>, vector<16xf32>,
      %parallel_loop3A_231 = arith.index_cast %parallel_loop3A_157 : i32 to index
      %parallel_loop3A_232 = arith.constant 96 : index
      %parallel_loop3A_233 = tpu.vector_load %arg15[%parallel_loop3A_231, %parallel_loop3A_232] {strides = array<i32>} : memref<256x128xf32, #tpu.memory_space<vmem>>, vector<16xf32>,
      %parallel_loop3A_234 = arith.addf %parallel_loop3A_230, %parallel_loop3A_233 : vector<16xf32>
      %parallel_loop3A_235 = arith.index_cast %parallel_loop3A_161 : i32 to index
      %parallel_loop3A_236 = arith.constant 96 : index
      %parallel_loop3A_237 = tpu.vector_load %arg16[%parallel_loop3A_235, %parallel_loop3A_236] {strides = array<i32>} : memref<2x128xf32, #tpu.memory_space<vmem>>, vector<16xf32>,
      %parallel_loop3A_238 = arith.addf %parallel_loop3A_234, %parallel_loop3A_237 : vector<16xf32>
      %parallel_loop3A_239 = arith.index_cast %parallel_loop3A_157 : i32 to index
      %parallel_loop3A_240 = arith.constant 112 : index
      %parallel_loop3A_241 = tpu.vector_load %arg14[%parallel_loop3A_239, %parallel_loop3A_240] {strides = array<i32>} : memref<256x128xf32, #tpu.memory_space<vmem>>, vector<16xf32>,
      %parallel_loop3A_242 = arith.index_cast %parallel_loop3A_157 : i32 to index
      %parallel_loop3A_243 = arith.constant 112 : index
      %parallel_loop3A_244 = tpu.vector_load %arg15[%parallel_loop3A_242, %parallel_loop3A_243] {strides = array<i32>} : memref<256x128xf32, #tpu.memory_space<vmem>>, vector<16xf32>,
      %parallel_loop3A_245 = arith.addf %parallel_loop3A_241, %parallel_loop3A_244 : vector<16xf32>
      %parallel_loop3A_246 = arith.index_cast %parallel_loop3A_161 : i32 to index
      %parallel_loop3A_247 = arith.constant 112 : index
      %parallel_loop3A_248 = tpu.vector_load %arg16[%parallel_loop3A_246, %parallel_loop3A_247] {strides = array<i32>} : memref<2x128xf32, #tpu.memory_space<vmem>>, vector<16xf32>,
      %parallel_loop3A_249 = arith.addf %parallel_loop3A_245, %parallel_loop3A_248 : vector<16xf32>
      %parallel_loop3A_250 = arith.mulf %parallel_loop3A_172, %parallel_loop3A_172 : vector<16xf32>
      %parallel_loop3A_251 = arith.addf %parallel_loop3A_172, %parallel_loop3A_183 : vector<16xf32>
      %parallel_loop3A_252 = arith.mulf %parallel_loop3A_183, %parallel_loop3A_183 : vector<16xf32>
      %parallel_loop3A_253 = arith.addf %parallel_loop3A_250, %parallel_loop3A_252 : vector<16xf32>
      %parallel_loop3A_254 = arith.addf %parallel_loop3A_251, %parallel_loop3A_194 : vector<16xf32>
      %parallel_loop3A_255 = arith.mulf %parallel_loop3A_194, %parallel_loop3A_194 : vector<16xf32>
      %parallel_loop3A_256 = arith.addf %parallel_loop3A_253, %parallel_loop3A_255 : vector<16xf32>
      %parallel_loop3A_257 = arith.addf %parallel_loop3A_254, %parallel_loop3A_205 : vector<16xf32>
      %parallel_loop3A_258 = arith.mulf %parallel_loop3A_205, %parallel_loop3A_205 : vector<16xf32>
      %parallel_loop3A_259 = arith.addf %parallel_loop3A_256, %parallel_loop3A_258 : vector<16xf32>
      %parallel_loop3A_260 = arith.addf %parallel_loop3A_257, %parallel_loop3A_216 : vector<16xf32>
      %parallel_loop3A_261 = arith.mulf %parallel_loop3A_216, %parallel_loop3A_216 : vector<16xf32>
      %parallel_loop3A_262 = arith.addf %parallel_loop3A_259, %parallel_loop3A_261 : vector<16xf32>
      %parallel_loop3A_263 = arith.addf %parallel_loop3A_260, %parallel_loop3A_227 : vector<16xf32>
      %parallel_loop3A_264 = arith.mulf %parallel_loop3A_227, %parallel_loop3A_227 : vector<16xf32>
      %parallel_loop3A_265 = arith.addf %parallel_loop3A_262, %parallel_loop3A_264 : vector<16xf32>
      %parallel_loop3A_266 = arith.addf %parallel_loop3A_263, %parallel_loop3A_238 : vector<16xf32>
      %parallel_loop3A_267 = arith.mulf %parallel_loop3A_238, %parallel_loop3A_238 : vector<16xf32>
      %parallel_loop3A_268 = arith.addf %parallel_loop3A_265, %parallel_loop3A_267 : vector<16xf32>
      %parallel_loop3A_269 = arith.addf %parallel_loop3A_266, %parallel_loop3A_249 : vector<16xf32>
      %parallel_loop3A_270 = arith.mulf %parallel_loop3A_249, %parallel_loop3A_249 : vector<16xf32>
      %parallel_loop3A_271 = arith.addf %parallel_loop3A_268, %parallel_loop3A_270 : vector<16xf32>
      %parallel_loop3A_272 = arith.constant true
      %parallel_loop3A_273 = vector.broadcast %parallel_loop3A_272 : i1 to vector<16xi1>
      %parallel_loop3A_274 = tpu.scan <sum>, %parallel_loop3A_269 masked %parallel_loop3A_273 : vector<16xf32>, vector<16xi1> -> vector<16xf32>
      %parallel_loop3A_275 = vector.extract %parallel_loop3A_274[15] : f32 from vector<16xf32>
      %parallel_loop3A_276 = arith.constant 7.812500e-03 : f32
      %parallel_loop3A_277 = arith.mulf %parallel_loop3A_275, %parallel_loop3A_276 : f32
      %parallel_loop3A_278 = vector.broadcast %parallel_loop3A_277 : f32 to vector<16xf32>
      %parallel_loop3A_279 = arith.constant true
      %parallel_loop3A_280 = vector.broadcast %parallel_loop3A_279 : i1 to vector<16xi1>
      %parallel_loop3A_281 = tpu.scan <sum>, %parallel_loop3A_271 masked %parallel_loop3A_280 : vector<16xf32>, vector<16xi1> -> vector<16xf32>
      %parallel_loop3A_282 = vector.extract %parallel_loop3A_281[15] : f32 from vector<16xf32>
      %parallel_loop3A_283 = arith.constant 7.812500e-03 : f32
      %parallel_loop3A_284 = arith.mulf %parallel_loop3A_282, %parallel_loop3A_283 : f32
      %parallel_loop3A_285 = vector.broadcast %parallel_loop3A_284 : f32 to vector<16xf32>
      %parallel_loop3A_286 = arith.mulf %parallel_loop3A_278, %parallel_loop3A_278 : vector<16xf32>
      %parallel_loop3A_287 = arith.subf %parallel_loop3A_285, %parallel_loop3A_286 : vector<16xf32>
      %parallel_loop3A_288 = arith.constant 9.99999996E-13 : f32
      %parallel_loop3A_289 = vector.broadcast %parallel_loop3A_288 : f32 to vector<16xf32>
      %parallel_loop3A_290 = arith.addf %parallel_loop3A_287, %parallel_loop3A_289 : vector<16xf32>
      %parallel_loop3A_291 = tpu.bitcast %parallel_loop3A_290 : vector<16xf32> -> vector<16xi32>
      %parallel_loop3A_292 = arith.constant 1 : i32
      %parallel_loop3A_293 = vector.broadcast %parallel_loop3A_292 : i32 to vector<16xi32>
      %parallel_loop3A_294 = arith.shrui %parallel_loop3A_291, %parallel_loop3A_293 : vector<16xi32>
      %parallel_loop3A_295 = arith.constant 1597463007 : i32
      %parallel_loop3A_296 = vector.broadcast %parallel_loop3A_295 : i32 to vector<16xi32>
      %parallel_loop3A_297 = arith.subi %parallel_loop3A_296, %parallel_loop3A_294 : vector<16xi32>
      %parallel_loop3A_298 = tpu.bitcast %parallel_loop3A_297 : vector<16xi32> -> vector<16xf32>
      %parallel_loop3A_299 = arith.constant 5.000000e-01 : f32
      %parallel_loop3A_300 = vector.broadcast %parallel_loop3A_299 : f32 to vector<16xf32>
      %parallel_loop3A_301 = arith.mulf %parallel_loop3A_300, %parallel_loop3A_290 : vector<16xf32>
      %parallel_loop3A_302 = arith.mulf %parallel_loop3A_301, %parallel_loop3A_298 : vector<16xf32>
      %parallel_loop3A_303 = arith.mulf %parallel_loop3A_302, %parallel_loop3A_298 : vector<16xf32>
      %parallel_loop3A_304 = arith.constant 1.500000e+00 : f32
      %parallel_loop3A_305 = vector.broadcast %parallel_loop3A_304 : f32 to vector<16xf32>
      %parallel_loop3A_306 = arith.subf %parallel_loop3A_305, %parallel_loop3A_303 : vector<16xf32>
      %parallel_loop3A_307 = arith.mulf %parallel_loop3A_298, %parallel_loop3A_306 : vector<16xf32>
      %parallel_loop3A_308 = arith.constant 5.000000e-01 : f32
      %parallel_loop3A_309 = vector.broadcast %parallel_loop3A_308 : f32 to vector<16xf32>
      %parallel_loop3A_310 = arith.mulf %parallel_loop3A_309, %parallel_loop3A_290 : vector<16xf32>
      %parallel_loop3A_311 = arith.mulf %parallel_loop3A_310, %parallel_loop3A_307 : vector<16xf32>
      %parallel_loop3A_312 = arith.mulf %parallel_loop3A_311, %parallel_loop3A_307 : vector<16xf32>
      %parallel_loop3A_313 = arith.constant 1.500000e+00 : f32
      %parallel_loop3A_314 = vector.broadcast %parallel_loop3A_313 : f32 to vector<16xf32>
      %parallel_loop3A_315 = arith.subf %parallel_loop3A_314, %parallel_loop3A_312 : vector<16xf32>
      %parallel_loop3A_316 = arith.mulf %parallel_loop3A_307, %parallel_loop3A_315 : vector<16xf32>
      %parallel_loop3A_317 = arith.subf %parallel_loop3A_172, %parallel_loop3A_278 : vector<16xf32>
      %parallel_loop3A_318 = arith.mulf %parallel_loop3A_317, %parallel_loop3A_316 : vector<16xf32>
      %parallel_loop3A_319 = arith.mulf %parallel_loop3A_318, %get3A_44 : vector<16xf32>
      %parallel_loop3A_320 = arith.addf %parallel_loop3A_319, %get3A_60 : vector<16xf32>
      %parallel_loop3A_321 = arith.index_cast %parallel_loop3A_157 : i32 to index
      %parallel_loop3A_322 = arith.constant 0 : index
      %parallel_loop3A_323 = tpu.vector_load %arg14[%parallel_loop3A_321, %parallel_loop3A_322] {strides = array<i32>} : memref<256x128xf32, #tpu.memory_space<vmem>>, vector<16xf32>,
      tpu.vector_store %arg14[%parallel_loop3A_321, %parallel_loop3A_322], %parallel_loop3A_320 {strides = array<i32>} : memref<256x128xf32, #tpu.memory_space<vmem>>, vector<16xf32>,
      %parallel_loop3A_324 = arith.subf %parallel_loop3A_183, %parallel_loop3A_278 : vector<16xf32>
      %parallel_loop3A_325 = arith.mulf %parallel_loop3A_324, %parallel_loop3A_316 : vector<16xf32>
      %parallel_loop3A_326 = arith.mulf %parallel_loop3A_325, %get3A_46 : vector<16xf32>
      %parallel_loop3A_327 = arith.addf %parallel_loop3A_326, %get3A_62 : vector<16xf32>
      %parallel_loop3A_328 = arith.index_cast %parallel_loop3A_157 : i32 to index
      %parallel_loop3A_329 = arith.constant 16 : index
      %parallel_loop3A_330 = tpu.vector_load %arg14[%parallel_loop3A_328, %parallel_loop3A_329] {strides = array<i32>} : memref<256x128xf32, #tpu.memory_space<vmem>>, vector<16xf32>,
      tpu.vector_store %arg14[%parallel_loop3A_328, %parallel_loop3A_329], %parallel_loop3A_327 {strides = array<i32>} : memref<256x128xf32, #tpu.memory_space<vmem>>, vector<16xf32>,
      %parallel_loop3A_331 = arith.subf %parallel_loop3A_194, %parallel_loop3A_278 : vector<16xf32>
      %parallel_loop3A_332 = arith.mulf %parallel_loop3A_331, %parallel_loop3A_316 : vector<16xf32>
      %parallel_loop3A_333 = arith.mulf %parallel_loop3A_332, %get3A_48 : vector<16xf32>
      %parallel_loop3A_334 = arith.addf %parallel_loop3A_333, %get3A_64 : vector<16xf32>
      %parallel_loop3A_335 = arith.index_cast %parallel_loop3A_157 : i32 to index
      %parallel_loop3A_336 = arith.constant 32 : index
      %parallel_loop3A_337 = tpu.vector_load %arg14[%parallel_loop3A_335, %parallel_loop3A_336] {strides = array<i32>} : memref<256x128xf32, #tpu.memory_space<vmem>>, vector<16xf32>,
      tpu.vector_store %arg14[%parallel_loop3A_335, %parallel_loop3A_336], %parallel_loop3A_334 {strides = array<i32>} : memref<256x128xf32, #tpu.memory_space<vmem>>, vector<16xf32>,
      %parallel_loop3A_338 = arith.subf %parallel_loop3A_205, %parallel_loop3A_278 : vector<16xf32>
      %parallel_loop3A_339 = arith.mulf %parallel_loop3A_338, %parallel_loop3A_316 : vector<16xf32>
      %parallel_loop3A_340 = arith.mulf %parallel_loop3A_339, %get3A_50 : vector<16xf32>
      %parallel_loop3A_341 = arith.addf %parallel_loop3A_340, %get3A_66 : vector<16xf32>
      %parallel_loop3A_342 = arith.index_cast %parallel_loop3A_157 : i32 to index
      %parallel_loop3A_343 = arith.constant 48 : index
      %parallel_loop3A_344 = tpu.vector_load %arg14[%parallel_loop3A_342, %parallel_loop3A_343] {strides = array<i32>} : memref<256x128xf32, #tpu.memory_space<vmem>>, vector<16xf32>,
      tpu.vector_store %arg14[%parallel_loop3A_342, %parallel_loop3A_343], %parallel_loop3A_341 {strides = array<i32>} : memref<256x128xf32, #tpu.memory_space<vmem>>, vector<16xf32>,
      %parallel_loop3A_345 = arith.subf %parallel_loop3A_216, %parallel_loop3A_278 : vector<16xf32>
      %parallel_loop3A_346 = arith.mulf %parallel_loop3A_345, %parallel_loop3A_316 : vector<16xf32>
      %parallel_loop3A_347 = arith.mulf %parallel_loop3A_346, %get3A_52 : vector<16xf32>
      %parallel_loop3A_348 = arith.addf %parallel_loop3A_347, %get3A_68 : vector<16xf32>
      %parallel_loop3A_349 = arith.index_cast %parallel_loop3A_157 : i32 to index
      %parallel_loop3A_350 = arith.constant 64 : index
      %parallel_loop3A_351 = tpu.vector_load %arg14[%parallel_loop3A_349, %parallel_loop3A_350] {strides = array<i32>} : memref<256x128xf32, #tpu.memory_space<vmem>>, vector<16xf32>,
      tpu.vector_store %arg14[%parallel_loop3A_349, %parallel_loop3A_350], %parallel_loop3A_348 {strides = array<i32>} : memref<256x128xf32, #tpu.memory_space<vmem>>, vector<16xf32>,
      %parallel_loop3A_352 = arith.subf %parallel_loop3A_227, %parallel_loop3A_278 : vector<16xf32>
      %parallel_loop3A_353 = arith.mulf %parallel_loop3A_352, %parallel_loop3A_316 : vector<16xf32>
      %parallel_loop3A_354 = arith.mulf %parallel_loop3A_353, %get3A_54 : vector<16xf32>
      %parallel_loop3A_355 = arith.addf %parallel_loop3A_354, %get3A_70 : vector<16xf32>
      %parallel_loop3A_356 = arith.index_cast %parallel_loop3A_157 : i32 to index
      %parallel_loop3A_357 = arith.constant 80 : index
      %parallel_loop3A_358 = tpu.vector_load %arg14[%parallel_loop3A_356, %parallel_loop3A_357] {strides = array<i32>} : memref<256x128xf32, #tpu.memory_space<vmem>>, vector<16xf32>,
      tpu.vector_store %arg14[%parallel_loop3A_356, %parallel_loop3A_357], %parallel_loop3A_355 {strides = array<i32>} : memref<256x128xf32, #tpu.memory_space<vmem>>, vector<16xf32>,
      %parallel_loop3A_359 = arith.subf %parallel_loop3A_238, %parallel_loop3A_278 : vector<16xf32>
      %parallel_loop3A_360 = arith.mulf %parallel_loop3A_359, %parallel_loop3A_316 : vector<16xf32>
      %parallel_loop3A_361 = arith.mulf %parallel_loop3A_360, %get3A_56 : vector<16xf32>
      %parallel_loop3A_362 = arith.addf %parallel_loop3A_361, %get3A_72 : vector<16xf32>
      %parallel_loop3A_363 = arith.index_cast %parallel_loop3A_157 : i32 to index
      %parallel_loop3A_364 = arith.constant 96 : index
      %parallel_loop3A_365 = tpu.vector_load %arg14[%parallel_loop3A_363, %parallel_loop3A_364] {strides = array<i32>} : memref<256x128xf32, #tpu.memory_space<vmem>>, vector<16xf32>,
      tpu.vector_store %arg14[%parallel_loop3A_363, %parallel_loop3A_364], %parallel_loop3A_362 {strides = array<i32>} : memref<256x128xf32, #tpu.memory_space<vmem>>, vector<16xf32>,
      %parallel_loop3A_366 = arith.subf %parallel_loop3A_249, %parallel_loop3A_278 : vector<16xf32>
      %parallel_loop3A_367 = arith.mulf %parallel_loop3A_366, %parallel_loop3A_316 : vector<16xf32>
      %parallel_loop3A_368 = arith.mulf %parallel_loop3A_367, %get3A_58 : vector<16xf32>
      %parallel_loop3A_369 = arith.addf %parallel_loop3A_368, %get3A_74 : vector<16xf32>
      %parallel_loop3A_370 = arith.index_cast %parallel_loop3A_157 : i32 to index
      %parallel_loop3A_371 = arith.constant 112 : index
      %parallel_loop3A_372 = tpu.vector_load %arg14[%parallel_loop3A_370, %parallel_loop3A_371] {strides = array<i32>} : memref<256x128xf32, #tpu.memory_space<vmem>>, vector<16xf32>,
      tpu.vector_store %arg14[%parallel_loop3A_370, %parallel_loop3A_371], %parallel_loop3A_369 {strides = array<i32>} : memref<256x128xf32, #tpu.memory_space<vmem>>, vector<16xf32>,
    } {sc.loop_unroll_factor = 2 : i64, sc.parallel_access}
    %add3A_94 = arith.constant 0 : i32
    %add3A_95 = arith.addi %mul3A_2, %add3A_94 : i32
    %dma_start3A_96 = arith.constant 0 : i32
    %dma_start3A_97 = arith.constant 0 : i32
    %dma_start3A_98 = tpu.memref_slice %arg14[%dma_start3A_96, %dma_start3A_97] : memref<256x128xf32, #tpu.memory_space<vmem>> -> memref<128x128xf32, #tpu.memory_space<vmem>>
    %dma_start3A_99 = arith.constant 0 : i32
    %dma_start3A_100 = tpu.memref_slice %arg9[%add3A_95, %dma_start3A_99] : memref<8192x128xf32, #tpu.memory_space<hbm>> -> memref<128x128xf32, #tpu.memory_space<hbm>>
    %dma_start3A_101 = arith.constant 0 : i32
    %dma_start3A_102 = tpu.memref_slice %arg9[%add3A_95, %dma_start3A_101] : memref<8192x128xf32, #tpu.memory_space<hbm>> -> memref<128x128xf32, #tpu.memory_space<hbm>>
    %dma_start3A_103 = arith.constant 0 : i32
    %dma_start3A_104 = arith.constant 0 : i32
    %dma_start3A_105 = tpu.memref_slice %arg14[%dma_start3A_103, %dma_start3A_104] : memref<256x128xf32, #tpu.memory_space<vmem>> -> memref<128x128xf32, #tpu.memory_space<vmem>>
    tpu.enqueue_dma source(%dma_start3A_105 : memref<128x128xf32, #tpu.memory_space<vmem>>) target(%dma_start3A_102 : memref<128x128xf32, #tpu.memory_space<hbm>>) target_semaphore(%arg23 : memref<!tpu.dma_semaphore, #tpu.memory_space<semaphore_mem>>)
    %dma_wait3A_106 = arith.constant 128 : i32
    %dma_wait3A_107 = arith.constant 0 : i32
    %dma_wait3A_108 = tpu.memref_slice %arg14[%dma_wait3A_106, %dma_wait3A_107] : memref<256x128xf32, #tpu.memory_space<vmem>> -> memref<128x128xf32, #tpu.memory_space<vmem>>
    %dma_wait3A_109 = arith.constant 128 : i32
    %dma_wait3A_110 = tpu.memref_slice %arg12[%dma_wait3A_109] : memref<256xi32, #tpu.memory_space<vmem>> -> memref<128xi32, #tpu.memory_space<vmem>>
    %dma_wait3A_111 = arith.constant 0 : i32
    %dma_wait3A_112 = arith.constant 0 : i32
    %dma_wait3A_113 = tpu.memref_slice %arg4[%dma_wait3A_111, %dma_wait3A_112] : memref<100000x128xf32, #tpu.memory_space<hbm>> -> memref<100000x128xf32, #tpu.memory_space<hbm>>
    tpu.wait_indirect_dma semaphore(%arg21 : memref<!tpu.dma_semaphore, #tpu.memory_space<semaphore_mem>>) src(%dma_wait3A_113 : memref<100000x128xf32, #tpu.memory_space<hbm>>) dst(%dma_wait3A_108 : memref<128x128xf32, #tpu.memory_space<vmem>>)
    %dma_wait3A_114 = arith.constant 128 : i32
    %dma_wait3A_115 = arith.constant 0 : i32
    %dma_wait3A_116 = tpu.memref_slice %arg15[%dma_wait3A_114, %dma_wait3A_115] : memref<256x128xf32, #tpu.memory_space<vmem>> -> memref<128x128xf32, #tpu.memory_space<vmem>>
    %dma_wait3A_117 = arith.constant 128 : i32
    %dma_wait3A_118 = tpu.memref_slice %arg11[%dma_wait3A_117] : memref<256xi32, #tpu.memory_space<vmem>> -> memref<128xi32, #tpu.memory_space<vmem>>
    %dma_wait3A_119 = arith.constant 0 : i32
    %dma_wait3A_120 = arith.constant 0 : i32
    %dma_wait3A_121 = tpu.memref_slice %arg5[%dma_wait3A_119, %dma_wait3A_120] : memref<2048x128xf32, #tpu.memory_space<hbm>> -> memref<2048x128xf32, #tpu.memory_space<hbm>>
    tpu.wait_indirect_dma semaphore(%arg22 : memref<!tpu.dma_semaphore, #tpu.memory_space<semaphore_mem>>) src(%dma_wait3A_121 : memref<2048x128xf32, #tpu.memory_space<hbm>>) dst(%dma_wait3A_116 : memref<128x128xf32, #tpu.memory_space<vmem>>)
    %parallel_loop3A_122 = arith.constant 128 : i32
    %parallel_loop3A_123 = arith.constant 256 : i32
    %parallel_loop3A_124 = arith.constant 1 : i32
    scf.for %parallel_loop3A_157 = %parallel_loop3A_122 to %parallel_loop3A_123 step %parallel_loop3A_124  : i32 {
      %parallel_loop3A_158 = arith.index_cast %parallel_loop3A_157 : i32 to index
      %parallel_loop3A_159 = tpu.vector_load %arg13[%parallel_loop3A_158] {strides = array<i32>} : memref<272xi32, #tpu.memory_space<vmem>>, vector<16xi32>,
      %parallel_loop3A_160 = vector.extract_strided_slice %parallel_loop3A_159 {offsets = [0], sizes = [1], strides = [1]} : vector<16xi32> to vector<1xi32>
      %parallel_loop3A_161 = vector.extract %parallel_loop3A_160[0] : i32 from vector<1xi32>
      %parallel_loop3A_162 = arith.index_cast %parallel_loop3A_157 : i32 to index
      %parallel_loop3A_163 = arith.constant 0 : index
      %parallel_loop3A_164 = tpu.vector_load %arg14[%parallel_loop3A_162, %parallel_loop3A_163] {strides = array<i32>} : memref<256x128xf32, #tpu.memory_space<vmem>>, vector<16xf32>,
      %parallel_loop3A_165 = arith.index_cast %parallel_loop3A_157 : i32 to index
      %parallel_loop3A_166 = arith.constant 0 : index
      %parallel_loop3A_167 = tpu.vector_load %arg15[%parallel_loop3A_165, %parallel_loop3A_166] {strides = array<i32>} : memref<256x128xf32, #tpu.memory_space<vmem>>, vector<16xf32>,
      %parallel_loop3A_168 = arith.addf %parallel_loop3A_164, %parallel_loop3A_167 : vector<16xf32>
      %parallel_loop3A_169 = arith.index_cast %parallel_loop3A_161 : i32 to index
      %parallel_loop3A_170 = arith.constant 0 : index
      %parallel_loop3A_171 = tpu.vector_load %arg16[%parallel_loop3A_169, %parallel_loop3A_170] {strides = array<i32>} : memref<2x128xf32, #tpu.memory_space<vmem>>, vector<16xf32>,
      %parallel_loop3A_172 = arith.addf %parallel_loop3A_168, %parallel_loop3A_171 : vector<16xf32>
      %parallel_loop3A_173 = arith.index_cast %parallel_loop3A_157 : i32 to index
      %parallel_loop3A_174 = arith.constant 16 : index
      %parallel_loop3A_175 = tpu.vector_load %arg14[%parallel_loop3A_173, %parallel_loop3A_174] {strides = array<i32>} : memref<256x128xf32, #tpu.memory_space<vmem>>, vector<16xf32>,
      %parallel_loop3A_176 = arith.index_cast %parallel_loop3A_157 : i32 to index
      %parallel_loop3A_177 = arith.constant 16 : index
      %parallel_loop3A_178 = tpu.vector_load %arg15[%parallel_loop3A_176, %parallel_loop3A_177] {strides = array<i32>} : memref<256x128xf32, #tpu.memory_space<vmem>>, vector<16xf32>,
      %parallel_loop3A_179 = arith.addf %parallel_loop3A_175, %parallel_loop3A_178 : vector<16xf32>
      %parallel_loop3A_180 = arith.index_cast %parallel_loop3A_161 : i32 to index
      %parallel_loop3A_181 = arith.constant 16 : index
      %parallel_loop3A_182 = tpu.vector_load %arg16[%parallel_loop3A_180, %parallel_loop3A_181] {strides = array<i32>} : memref<2x128xf32, #tpu.memory_space<vmem>>, vector<16xf32>,
      %parallel_loop3A_183 = arith.addf %parallel_loop3A_179, %parallel_loop3A_182 : vector<16xf32>
      %parallel_loop3A_184 = arith.index_cast %parallel_loop3A_157 : i32 to index
      %parallel_loop3A_185 = arith.constant 32 : index
      %parallel_loop3A_186 = tpu.vector_load %arg14[%parallel_loop3A_184, %parallel_loop3A_185] {strides = array<i32>} : memref<256x128xf32, #tpu.memory_space<vmem>>, vector<16xf32>,
      %parallel_loop3A_187 = arith.index_cast %parallel_loop3A_157 : i32 to index
      %parallel_loop3A_188 = arith.constant 32 : index
      %parallel_loop3A_189 = tpu.vector_load %arg15[%parallel_loop3A_187, %parallel_loop3A_188] {strides = array<i32>} : memref<256x128xf32, #tpu.memory_space<vmem>>, vector<16xf32>,
      %parallel_loop3A_190 = arith.addf %parallel_loop3A_186, %parallel_loop3A_189 : vector<16xf32>
      %parallel_loop3A_191 = arith.index_cast %parallel_loop3A_161 : i32 to index
      %parallel_loop3A_192 = arith.constant 32 : index
      %parallel_loop3A_193 = tpu.vector_load %arg16[%parallel_loop3A_191, %parallel_loop3A_192] {strides = array<i32>} : memref<2x128xf32, #tpu.memory_space<vmem>>, vector<16xf32>,
      %parallel_loop3A_194 = arith.addf %parallel_loop3A_190, %parallel_loop3A_193 : vector<16xf32>
      %parallel_loop3A_195 = arith.index_cast %parallel_loop3A_157 : i32 to index
      %parallel_loop3A_196 = arith.constant 48 : index
      %parallel_loop3A_197 = tpu.vector_load %arg14[%parallel_loop3A_195, %parallel_loop3A_196] {strides = array<i32>} : memref<256x128xf32, #tpu.memory_space<vmem>>, vector<16xf32>,
      %parallel_loop3A_198 = arith.index_cast %parallel_loop3A_157 : i32 to index
      %parallel_loop3A_199 = arith.constant 48 : index
      %parallel_loop3A_200 = tpu.vector_load %arg15[%parallel_loop3A_198, %parallel_loop3A_199] {strides = array<i32>} : memref<256x128xf32, #tpu.memory_space<vmem>>, vector<16xf32>,
      %parallel_loop3A_201 = arith.addf %parallel_loop3A_197, %parallel_loop3A_200 : vector<16xf32>
      %parallel_loop3A_202 = arith.index_cast %parallel_loop3A_161 : i32 to index
      %parallel_loop3A_203 = arith.constant 48 : index
      %parallel_loop3A_204 = tpu.vector_load %arg16[%parallel_loop3A_202, %parallel_loop3A_203] {strides = array<i32>} : memref<2x128xf32, #tpu.memory_space<vmem>>, vector<16xf32>,
      %parallel_loop3A_205 = arith.addf %parallel_loop3A_201, %parallel_loop3A_204 : vector<16xf32>
      %parallel_loop3A_206 = arith.index_cast %parallel_loop3A_157 : i32 to index
      %parallel_loop3A_207 = arith.constant 64 : index
      %parallel_loop3A_208 = tpu.vector_load %arg14[%parallel_loop3A_206, %parallel_loop3A_207] {strides = array<i32>} : memref<256x128xf32, #tpu.memory_space<vmem>>, vector<16xf32>,
      %parallel_loop3A_209 = arith.index_cast %parallel_loop3A_157 : i32 to index
      %parallel_loop3A_210 = arith.constant 64 : index
      %parallel_loop3A_211 = tpu.vector_load %arg15[%parallel_loop3A_209, %parallel_loop3A_210] {strides = array<i32>} : memref<256x128xf32, #tpu.memory_space<vmem>>, vector<16xf32>,
      %parallel_loop3A_212 = arith.addf %parallel_loop3A_208, %parallel_loop3A_211 : vector<16xf32>
      %parallel_loop3A_213 = arith.index_cast %parallel_loop3A_161 : i32 to index
      %parallel_loop3A_214 = arith.constant 64 : index
      %parallel_loop3A_215 = tpu.vector_load %arg16[%parallel_loop3A_213, %parallel_loop3A_214] {strides = array<i32>} : memref<2x128xf32, #tpu.memory_space<vmem>>, vector<16xf32>,
      %parallel_loop3A_216 = arith.addf %parallel_loop3A_212, %parallel_loop3A_215 : vector<16xf32>
      %parallel_loop3A_217 = arith.index_cast %parallel_loop3A_157 : i32 to index
      %parallel_loop3A_218 = arith.constant 80 : index
      %parallel_loop3A_219 = tpu.vector_load %arg14[%parallel_loop3A_217, %parallel_loop3A_218] {strides = array<i32>} : memref<256x128xf32, #tpu.memory_space<vmem>>, vector<16xf32>,
      %parallel_loop3A_220 = arith.index_cast %parallel_loop3A_157 : i32 to index
      %parallel_loop3A_221 = arith.constant 80 : index
      %parallel_loop3A_222 = tpu.vector_load %arg15[%parallel_loop3A_220, %parallel_loop3A_221] {strides = array<i32>} : memref<256x128xf32, #tpu.memory_space<vmem>>, vector<16xf32>,
      %parallel_loop3A_223 = arith.addf %parallel_loop3A_219, %parallel_loop3A_222 : vector<16xf32>
      %parallel_loop3A_224 = arith.index_cast %parallel_loop3A_161 : i32 to index
      %parallel_loop3A_225 = arith.constant 80 : index
      %parallel_loop3A_226 = tpu.vector_load %arg16[%parallel_loop3A_224, %parallel_loop3A_225] {strides = array<i32>} : memref<2x128xf32, #tpu.memory_space<vmem>>, vector<16xf32>,
      %parallel_loop3A_227 = arith.addf %parallel_loop3A_223, %parallel_loop3A_226 : vector<16xf32>
      %parallel_loop3A_228 = arith.index_cast %parallel_loop3A_157 : i32 to index
      %parallel_loop3A_229 = arith.constant 96 : index
      %parallel_loop3A_230 = tpu.vector_load %arg14[%parallel_loop3A_228, %parallel_loop3A_229] {strides = array<i32>} : memref<256x128xf32, #tpu.memory_space<vmem>>, vector<16xf32>,
      %parallel_loop3A_231 = arith.index_cast %parallel_loop3A_157 : i32 to index
      %parallel_loop3A_232 = arith.constant 96 : index
      %parallel_loop3A_233 = tpu.vector_load %arg15[%parallel_loop3A_231, %parallel_loop3A_232] {strides = array<i32>} : memref<256x128xf32, #tpu.memory_space<vmem>>, vector<16xf32>,
      %parallel_loop3A_234 = arith.addf %parallel_loop3A_230, %parallel_loop3A_233 : vector<16xf32>
      %parallel_loop3A_235 = arith.index_cast %parallel_loop3A_161 : i32 to index
      %parallel_loop3A_236 = arith.constant 96 : index
      %parallel_loop3A_237 = tpu.vector_load %arg16[%parallel_loop3A_235, %parallel_loop3A_236] {strides = array<i32>} : memref<2x128xf32, #tpu.memory_space<vmem>>, vector<16xf32>,
      %parallel_loop3A_238 = arith.addf %parallel_loop3A_234, %parallel_loop3A_237 : vector<16xf32>
      %parallel_loop3A_239 = arith.index_cast %parallel_loop3A_157 : i32 to index
      %parallel_loop3A_240 = arith.constant 112 : index
      %parallel_loop3A_241 = tpu.vector_load %arg14[%parallel_loop3A_239, %parallel_loop3A_240] {strides = array<i32>} : memref<256x128xf32, #tpu.memory_space<vmem>>, vector<16xf32>,
      %parallel_loop3A_242 = arith.index_cast %parallel_loop3A_157 : i32 to index
      %parallel_loop3A_243 = arith.constant 112 : index
      %parallel_loop3A_244 = tpu.vector_load %arg15[%parallel_loop3A_242, %parallel_loop3A_243] {strides = array<i32>} : memref<256x128xf32, #tpu.memory_space<vmem>>, vector<16xf32>,
      %parallel_loop3A_245 = arith.addf %parallel_loop3A_241, %parallel_loop3A_244 : vector<16xf32>
      %parallel_loop3A_246 = arith.index_cast %parallel_loop3A_161 : i32 to index
      %parallel_loop3A_247 = arith.constant 112 : index
      %parallel_loop3A_248 = tpu.vector_load %arg16[%parallel_loop3A_246, %parallel_loop3A_247] {strides = array<i32>} : memref<2x128xf32, #tpu.memory_space<vmem>>, vector<16xf32>,
      %parallel_loop3A_249 = arith.addf %parallel_loop3A_245, %parallel_loop3A_248 : vector<16xf32>
      %parallel_loop3A_250 = arith.mulf %parallel_loop3A_172, %parallel_loop3A_172 : vector<16xf32>
      %parallel_loop3A_251 = arith.addf %parallel_loop3A_172, %parallel_loop3A_183 : vector<16xf32>
      %parallel_loop3A_252 = arith.mulf %parallel_loop3A_183, %parallel_loop3A_183 : vector<16xf32>
      %parallel_loop3A_253 = arith.addf %parallel_loop3A_250, %parallel_loop3A_252 : vector<16xf32>
      %parallel_loop3A_254 = arith.addf %parallel_loop3A_251, %parallel_loop3A_194 : vector<16xf32>
      %parallel_loop3A_255 = arith.mulf %parallel_loop3A_194, %parallel_loop3A_194 : vector<16xf32>
      %parallel_loop3A_256 = arith.addf %parallel_loop3A_253, %parallel_loop3A_255 : vector<16xf32>
      %parallel_loop3A_257 = arith.addf %parallel_loop3A_254, %parallel_loop3A_205 : vector<16xf32>
      %parallel_loop3A_258 = arith.mulf %parallel_loop3A_205, %parallel_loop3A_205 : vector<16xf32>
      %parallel_loop3A_259 = arith.addf %parallel_loop3A_256, %parallel_loop3A_258 : vector<16xf32>
      %parallel_loop3A_260 = arith.addf %parallel_loop3A_257, %parallel_loop3A_216 : vector<16xf32>
      %parallel_loop3A_261 = arith.mulf %parallel_loop3A_216, %parallel_loop3A_216 : vector<16xf32>
      %parallel_loop3A_262 = arith.addf %parallel_loop3A_259, %parallel_loop3A_261 : vector<16xf32>
      %parallel_loop3A_263 = arith.addf %parallel_loop3A_260, %parallel_loop3A_227 : vector<16xf32>
      %parallel_loop3A_264 = arith.mulf %parallel_loop3A_227, %parallel_loop3A_227 : vector<16xf32>
      %parallel_loop3A_265 = arith.addf %parallel_loop3A_262, %parallel_loop3A_264 : vector<16xf32>
      %parallel_loop3A_266 = arith.addf %parallel_loop3A_263, %parallel_loop3A_238 : vector<16xf32>
      %parallel_loop3A_267 = arith.mulf %parallel_loop3A_238, %parallel_loop3A_238 : vector<16xf32>
      %parallel_loop3A_268 = arith.addf %parallel_loop3A_265, %parallel_loop3A_267 : vector<16xf32>
      %parallel_loop3A_269 = arith.addf %parallel_loop3A_266, %parallel_loop3A_249 : vector<16xf32>
      %parallel_loop3A_270 = arith.mulf %parallel_loop3A_249, %parallel_loop3A_249 : vector<16xf32>
      %parallel_loop3A_271 = arith.addf %parallel_loop3A_268, %parallel_loop3A_270 : vector<16xf32>
      %parallel_loop3A_272 = arith.constant true
      %parallel_loop3A_273 = vector.broadcast %parallel_loop3A_272 : i1 to vector<16xi1>
      %parallel_loop3A_274 = tpu.scan <sum>, %parallel_loop3A_269 masked %parallel_loop3A_273 : vector<16xf32>, vector<16xi1> -> vector<16xf32>
      %parallel_loop3A_275 = vector.extract %parallel_loop3A_274[15] : f32 from vector<16xf32>
      %parallel_loop3A_276 = arith.constant 7.812500e-03 : f32
      %parallel_loop3A_277 = arith.mulf %parallel_loop3A_275, %parallel_loop3A_276 : f32
      %parallel_loop3A_278 = vector.broadcast %parallel_loop3A_277 : f32 to vector<16xf32>
      %parallel_loop3A_279 = arith.constant true
      %parallel_loop3A_280 = vector.broadcast %parallel_loop3A_279 : i1 to vector<16xi1>
      %parallel_loop3A_281 = tpu.scan <sum>, %parallel_loop3A_271 masked %parallel_loop3A_280 : vector<16xf32>, vector<16xi1> -> vector<16xf32>
      %parallel_loop3A_282 = vector.extract %parallel_loop3A_281[15] : f32 from vector<16xf32>
      %parallel_loop3A_283 = arith.constant 7.812500e-03 : f32
      %parallel_loop3A_284 = arith.mulf %parallel_loop3A_282, %parallel_loop3A_283 : f32
      %parallel_loop3A_285 = vector.broadcast %parallel_loop3A_284 : f32 to vector<16xf32>
      %parallel_loop3A_286 = arith.mulf %parallel_loop3A_278, %parallel_loop3A_278 : vector<16xf32>
      %parallel_loop3A_287 = arith.subf %parallel_loop3A_285, %parallel_loop3A_286 : vector<16xf32>
      %parallel_loop3A_288 = arith.constant 9.99999996E-13 : f32
      %parallel_loop3A_289 = vector.broadcast %parallel_loop3A_288 : f32 to vector<16xf32>
      %parallel_loop3A_290 = arith.addf %parallel_loop3A_287, %parallel_loop3A_289 : vector<16xf32>
      %parallel_loop3A_291 = tpu.bitcast %parallel_loop3A_290 : vector<16xf32> -> vector<16xi32>
      %parallel_loop3A_292 = arith.constant 1 : i32
      %parallel_loop3A_293 = vector.broadcast %parallel_loop3A_292 : i32 to vector<16xi32>
      %parallel_loop3A_294 = arith.shrui %parallel_loop3A_291, %parallel_loop3A_293 : vector<16xi32>
      %parallel_loop3A_295 = arith.constant 1597463007 : i32
      %parallel_loop3A_296 = vector.broadcast %parallel_loop3A_295 : i32 to vector<16xi32>
      %parallel_loop3A_297 = arith.subi %parallel_loop3A_296, %parallel_loop3A_294 : vector<16xi32>
      %parallel_loop3A_298 = tpu.bitcast %parallel_loop3A_297 : vector<16xi32> -> vector<16xf32>
      %parallel_loop3A_299 = arith.constant 5.000000e-01 : f32
      %parallel_loop3A_300 = vector.broadcast %parallel_loop3A_299 : f32 to vector<16xf32>
      %parallel_loop3A_301 = arith.mulf %parallel_loop3A_300, %parallel_loop3A_290 : vector<16xf32>
      %parallel_loop3A_302 = arith.mulf %parallel_loop3A_301, %parallel_loop3A_298 : vector<16xf32>
      %parallel_loop3A_303 = arith.mulf %parallel_loop3A_302, %parallel_loop3A_298 : vector<16xf32>
      %parallel_loop3A_304 = arith.constant 1.500000e+00 : f32
      %parallel_loop3A_305 = vector.broadcast %parallel_loop3A_304 : f32 to vector<16xf32>
      %parallel_loop3A_306 = arith.subf %parallel_loop3A_305, %parallel_loop3A_303 : vector<16xf32>
      %parallel_loop3A_307 = arith.mulf %parallel_loop3A_298, %parallel_loop3A_306 : vector<16xf32>
      %parallel_loop3A_308 = arith.constant 5.000000e-01 : f32
      %parallel_loop3A_309 = vector.broadcast %parallel_loop3A_308 : f32 to vector<16xf32>
      %parallel_loop3A_310 = arith.mulf %parallel_loop3A_309, %parallel_loop3A_290 : vector<16xf32>
      %parallel_loop3A_311 = arith.mulf %parallel_loop3A_310, %parallel_loop3A_307 : vector<16xf32>
      %parallel_loop3A_312 = arith.mulf %parallel_loop3A_311, %parallel_loop3A_307 : vector<16xf32>
      %parallel_loop3A_313 = arith.constant 1.500000e+00 : f32
      %parallel_loop3A_314 = vector.broadcast %parallel_loop3A_313 : f32 to vector<16xf32>
      %parallel_loop3A_315 = arith.subf %parallel_loop3A_314, %parallel_loop3A_312 : vector<16xf32>
      %parallel_loop3A_316 = arith.mulf %parallel_loop3A_307, %parallel_loop3A_315 : vector<16xf32>
      %parallel_loop3A_317 = arith.subf %parallel_loop3A_172, %parallel_loop3A_278 : vector<16xf32>
      %parallel_loop3A_318 = arith.mulf %parallel_loop3A_317, %parallel_loop3A_316 : vector<16xf32>
      %parallel_loop3A_319 = arith.mulf %parallel_loop3A_318, %get3A_44 : vector<16xf32>
      %parallel_loop3A_320 = arith.addf %parallel_loop3A_319, %get3A_60 : vector<16xf32>
      %parallel_loop3A_321 = arith.index_cast %parallel_loop3A_157 : i32 to index
      %parallel_loop3A_322 = arith.constant 0 : index
      %parallel_loop3A_323 = tpu.vector_load %arg14[%parallel_loop3A_321, %parallel_loop3A_322] {strides = array<i32>} : memref<256x128xf32, #tpu.memory_space<vmem>>, vector<16xf32>,
      tpu.vector_store %arg14[%parallel_loop3A_321, %parallel_loop3A_322], %parallel_loop3A_320 {strides = array<i32>} : memref<256x128xf32, #tpu.memory_space<vmem>>, vector<16xf32>,
      %parallel_loop3A_324 = arith.subf %parallel_loop3A_183, %parallel_loop3A_278 : vector<16xf32>
      %parallel_loop3A_325 = arith.mulf %parallel_loop3A_324, %parallel_loop3A_316 : vector<16xf32>
      %parallel_loop3A_326 = arith.mulf %parallel_loop3A_325, %get3A_46 : vector<16xf32>
      %parallel_loop3A_327 = arith.addf %parallel_loop3A_326, %get3A_62 : vector<16xf32>
      %parallel_loop3A_328 = arith.index_cast %parallel_loop3A_157 : i32 to index
      %parallel_loop3A_329 = arith.constant 16 : index
      %parallel_loop3A_330 = tpu.vector_load %arg14[%parallel_loop3A_328, %parallel_loop3A_329] {strides = array<i32>} : memref<256x128xf32, #tpu.memory_space<vmem>>, vector<16xf32>,
      tpu.vector_store %arg14[%parallel_loop3A_328, %parallel_loop3A_329], %parallel_loop3A_327 {strides = array<i32>} : memref<256x128xf32, #tpu.memory_space<vmem>>, vector<16xf32>,
      %parallel_loop3A_331 = arith.subf %parallel_loop3A_194, %parallel_loop3A_278 : vector<16xf32>
      %parallel_loop3A_332 = arith.mulf %parallel_loop3A_331, %parallel_loop3A_316 : vector<16xf32>
      %parallel_loop3A_333 = arith.mulf %parallel_loop3A_332, %get3A_48 : vector<16xf32>
      %parallel_loop3A_334 = arith.addf %parallel_loop3A_333, %get3A_64 : vector<16xf32>
      %parallel_loop3A_335 = arith.index_cast %parallel_loop3A_157 : i32 to index
      %parallel_loop3A_336 = arith.constant 32 : index
      %parallel_loop3A_337 = tpu.vector_load %arg14[%parallel_loop3A_335, %parallel_loop3A_336] {strides = array<i32>} : memref<256x128xf32, #tpu.memory_space<vmem>>, vector<16xf32>,
      tpu.vector_store %arg14[%parallel_loop3A_335, %parallel_loop3A_336], %parallel_loop3A_334 {strides = array<i32>} : memref<256x128xf32, #tpu.memory_space<vmem>>, vector<16xf32>,
      %parallel_loop3A_338 = arith.subf %parallel_loop3A_205, %parallel_loop3A_278 : vector<16xf32>
      %parallel_loop3A_339 = arith.mulf %parallel_loop3A_338, %parallel_loop3A_316 : vector<16xf32>
      %parallel_loop3A_340 = arith.mulf %parallel_loop3A_339, %get3A_50 : vector<16xf32>
      %parallel_loop3A_341 = arith.addf %parallel_loop3A_340, %get3A_66 : vector<16xf32>
      %parallel_loop3A_342 = arith.index_cast %parallel_loop3A_157 : i32 to index
      %parallel_loop3A_343 = arith.constant 48 : index
      %parallel_loop3A_344 = tpu.vector_load %arg14[%parallel_loop3A_342, %parallel_loop3A_343] {strides = array<i32>} : memref<256x128xf32, #tpu.memory_space<vmem>>, vector<16xf32>,
      tpu.vector_store %arg14[%parallel_loop3A_342, %parallel_loop3A_343], %parallel_loop3A_341 {strides = array<i32>} : memref<256x128xf32, #tpu.memory_space<vmem>>, vector<16xf32>,
      %parallel_loop3A_345 = arith.subf %parallel_loop3A_216, %parallel_loop3A_278 : vector<16xf32>
      %parallel_loop3A_346 = arith.mulf %parallel_loop3A_345, %parallel_loop3A_316 : vector<16xf32>
      %parallel_loop3A_347 = arith.mulf %parallel_loop3A_346, %get3A_52 : vector<16xf32>
      %parallel_loop3A_348 = arith.addf %parallel_loop3A_347, %get3A_68 : vector<16xf32>
      %parallel_loop3A_349 = arith.index_cast %parallel_loop3A_157 : i32 to index
      %parallel_loop3A_350 = arith.constant 64 : index
      %parallel_loop3A_351 = tpu.vector_load %arg14[%parallel_loop3A_349, %parallel_loop3A_350] {strides = array<i32>} : memref<256x128xf32, #tpu.memory_space<vmem>>, vector<16xf32>,
      tpu.vector_store %arg14[%parallel_loop3A_349, %parallel_loop3A_350], %parallel_loop3A_348 {strides = array<i32>} : memref<256x128xf32, #tpu.memory_space<vmem>>, vector<16xf32>,
      %parallel_loop3A_352 = arith.subf %parallel_loop3A_227, %parallel_loop3A_278 : vector<16xf32>
      %parallel_loop3A_353 = arith.mulf %parallel_loop3A_352, %parallel_loop3A_316 : vector<16xf32>
      %parallel_loop3A_354 = arith.mulf %parallel_loop3A_353, %get3A_54 : vector<16xf32>
      %parallel_loop3A_355 = arith.addf %parallel_loop3A_354, %get3A_70 : vector<16xf32>
      %parallel_loop3A_356 = arith.index_cast %parallel_loop3A_157 : i32 to index
      %parallel_loop3A_357 = arith.constant 80 : index
      %parallel_loop3A_358 = tpu.vector_load %arg14[%parallel_loop3A_356, %parallel_loop3A_357] {strides = array<i32>} : memref<256x128xf32, #tpu.memory_space<vmem>>, vector<16xf32>,
      tpu.vector_store %arg14[%parallel_loop3A_356, %parallel_loop3A_357], %parallel_loop3A_355 {strides = array<i32>} : memref<256x128xf32, #tpu.memory_space<vmem>>, vector<16xf32>,
      %parallel_loop3A_359 = arith.subf %parallel_loop3A_238, %parallel_loop3A_278 : vector<16xf32>
      %parallel_loop3A_360 = arith.mulf %parallel_loop3A_359, %parallel_loop3A_316 : vector<16xf32>
      %parallel_loop3A_361 = arith.mulf %parallel_loop3A_360, %get3A_56 : vector<16xf32>
      %parallel_loop3A_362 = arith.addf %parallel_loop3A_361, %get3A_72 : vector<16xf32>
      %parallel_loop3A_363 = arith.index_cast %parallel_loop3A_157 : i32 to index
      %parallel_loop3A_364 = arith.constant 96 : index
      %parallel_loop3A_365 = tpu.vector_load %arg14[%parallel_loop3A_363, %parallel_loop3A_364] {strides = array<i32>} : memref<256x128xf32, #tpu.memory_space<vmem>>, vector<16xf32>,
      tpu.vector_store %arg14[%parallel_loop3A_363, %parallel_loop3A_364], %parallel_loop3A_362 {strides = array<i32>} : memref<256x128xf32, #tpu.memory_space<vmem>>, vector<16xf32>,
      %parallel_loop3A_366 = arith.subf %parallel_loop3A_249, %parallel_loop3A_278 : vector<16xf32>
      %parallel_loop3A_367 = arith.mulf %parallel_loop3A_366, %parallel_loop3A_316 : vector<16xf32>
      %parallel_loop3A_368 = arith.mulf %parallel_loop3A_367, %get3A_58 : vector<16xf32>
      %parallel_loop3A_369 = arith.addf %parallel_loop3A_368, %get3A_74 : vector<16xf32>
      %parallel_loop3A_370 = arith.index_cast %parallel_loop3A_157 : i32 to index
      %parallel_loop3A_371 = arith.constant 112 : index
      %parallel_loop3A_372 = tpu.vector_load %arg14[%parallel_loop3A_370, %parallel_loop3A_371] {strides = array<i32>} : memref<256x128xf32, #tpu.memory_space<vmem>>, vector<16xf32>,
      tpu.vector_store %arg14[%parallel_loop3A_370, %parallel_loop3A_371], %parallel_loop3A_369 {strides = array<i32>} : memref<256x128xf32, #tpu.memory_space<vmem>>, vector<16xf32>,
    } {sc.loop_unroll_factor = 2 : i64, sc.parallel_access}
    %add3A_125 = arith.constant 128 : i32
    %add3A_126 = arith.addi %mul3A_2, %add3A_125 : i32
    %dma_start3A_127 = arith.constant 128 : i32
    %dma_start3A_128 = arith.constant 0 : i32
    %dma_start3A_129 = tpu.memref_slice %arg14[%dma_start3A_127, %dma_start3A_128] : memref<256x128xf32, #tpu.memory_space<vmem>> -> memref<128x128xf32, #tpu.memory_space<vmem>>
    %dma_start3A_130 = arith.constant 0 : i32
    %dma_start3A_131 = tpu.memref_slice %arg9[%add3A_126, %dma_start3A_130] : memref<8192x128xf32, #tpu.memory_space<hbm>> -> memref<128x128xf32, #tpu.memory_space<hbm>>
    %dma_start3A_132 = arith.constant 0 : i32
    %dma_start3A_133 = tpu.memref_slice %arg9[%add3A_126, %dma_start3A_132] : memref<8192x128xf32, #tpu.memory_space<hbm>> -> memref<128x128xf32, #tpu.memory_space<hbm>>
    %dma_start3A_134 = arith.constant 128 : i32
    %dma_start3A_135 = arith.constant 0 : i32
    %dma_start3A_136 = tpu.memref_slice %arg14[%dma_start3A_134, %dma_start3A_135] : memref<256x128xf32, #tpu.memory_space<vmem>> -> memref<128x128xf32, #tpu.memory_space<vmem>>
    tpu.enqueue_dma source(%dma_start3A_136 : memref<128x128xf32, #tpu.memory_space<vmem>>) target(%dma_start3A_133 : memref<128x128xf32, #tpu.memory_space<hbm>>) target_semaphore(%arg23 : memref<!tpu.dma_semaphore, #tpu.memory_space<semaphore_mem>>)
    %dma_wait3A_137 = arith.constant 0 : i32
    %dma_wait3A_138 = arith.constant 0 : i32
    %dma_wait3A_139 = tpu.memref_slice %arg14[%dma_wait3A_137, %dma_wait3A_138] : memref<256x128xf32, #tpu.memory_space<vmem>> -> memref<128x128xf32, #tpu.memory_space<vmem>>
    %dma_wait3A_140 = arith.constant 0 : i32
    %dma_wait3A_141 = tpu.memref_slice %arg9[%add3A_95, %dma_wait3A_140] : memref<8192x128xf32, #tpu.memory_space<hbm>> -> memref<128x128xf32, #tpu.memory_space<hbm>>
    %dma_wait3A_142 = arith.constant 0 : i32
    %dma_wait3A_143 = tpu.memref_slice %arg9[%add3A_95, %dma_wait3A_142] : memref<8192x128xf32, #tpu.memory_space<hbm>> -> memref<128x128xf32, #tpu.memory_space<hbm>>
    %dma_wait3A_144 = arith.constant 0 : i32
    %dma_wait3A_145 = arith.constant 0 : i32
    %dma_wait3A_146 = tpu.memref_slice %arg14[%dma_wait3A_144, %dma_wait3A_145] : memref<256x128xf32, #tpu.memory_space<vmem>> -> memref<128x128xf32, #tpu.memory_space<vmem>>
    tpu.wait_dma2 semaphore(%arg23 : memref<!tpu.dma_semaphore, #tpu.memory_space<semaphore_mem>>) src(%dma_wait3A_146 : memref<128x128xf32, #tpu.memory_space<vmem>>) dst(%dma_wait3A_143 : memref<128x128xf32, #tpu.memory_space<hbm>>)
    %dma_wait3A_147 = arith.constant 128 : i32
    %dma_wait3A_148 = arith.constant 0 : i32
    %dma_wait3A_149 = tpu.memref_slice %arg14[%dma_wait3A_147, %dma_wait3A_148] : memref<256x128xf32, #tpu.memory_space<vmem>> -> memref<128x128xf32, #tpu.memory_space<vmem>>
    %dma_wait3A_150 = arith.constant 0 : i32
    %dma_wait3A_151 = tpu.memref_slice %arg9[%add3A_126, %dma_wait3A_150] : memref<8192x128xf32, #tpu.memory_space<hbm>> -> memref<128x128xf32, #tpu.memory_space<hbm>>
    %dma_wait3A_152 = arith.constant 0 : i32
    %dma_wait3A_153 = tpu.memref_slice %arg9[%add3A_126, %dma_wait3A_152] : memref<8192x128xf32, #tpu.memory_space<hbm>> -> memref<128x128xf32, #tpu.memory_space<hbm>>
    %dma_wait3A_154 = arith.constant 128 : i32
    %dma_wait3A_155 = arith.constant 0 : i32
    %dma_wait3A_156 = tpu.memref_slice %arg14[%dma_wait3A_154, %dma_wait3A_155] : memref<256x128xf32, #tpu.memory_space<vmem>> -> memref<128x128xf32, #tpu.memory_space<vmem>>
    tpu.wait_dma2 semaphore(%arg23 : memref<!tpu.dma_semaphore, #tpu.memory_space<semaphore_mem>>) src(%dma_wait3A_156 : memref<128x128xf32, #tpu.memory_space<vmem>>) dst(%dma_wait3A_153 : memref<128x128xf32, #tpu.memory_space<hbm>>)
    return
  }
}

</mosaic_0001>

<sc_bundles>
// kernel: _emb_ln.3.cloned.1.call-start
scs
__scs_entry_jumppad:
0x0: {  	(pc) =	sbr.rel $0x88, $3  }
0x1: {  	(tag) =	ssettag $0x0;
	lr =	simm.s32 $0x1  }
0x2: {  	[smem:$0x3F9A] =	sst lr;
	_ =	strace $0xD0000000  }
0x3: {  	_ = 	snop  }
0x4: {  	_ = 	snop  }
0x5: {  	_ = 	snop  }
0x6: {  	_ = 	snop  }
0x7: {  	_ = 	snop  }
__scs_overlays_trampoline_lowered:
0x8: {  	[smem:$0x3FA9] =	sst s0  }
0x9: {  	[smem:$0x3FAA] =	sst s1  }
0xa: {  	[smem:$0x3FAB] =	sst s2  }
0xb: {  	[smem:$0x3FAC] =	sst s3  }
0xc: {  	[smem:$0x3FAD] =	sst s4  }
0xd: {  	[smem:$0x3FAE] =	sst s5  }
0xe: {  	[smem:$0x3FAF] =	sst s6  }
0xf: {  	[smem:$0x3FB0] =	sst s7  }
0x10: {  	[smem:$0x3FB1] =	sst s8  }
0x11: {  	[smem:$0x3FB2] =	sst s9;
	s0 =	simm.s32 @!p0 $0x0  }
0x12: {  	s1 =	sld [smem:$0x3F98];
	s0 =	simm.s32 @p0 $0x1  }
0x13: {  	[smem:$0x3FB3] =	sst s0;
	s0 =	simm.s32 @!p1 $0x0  }
0x14: {  	s2 =	sld [smem:$0x3F97];
	s0 =	simm.s32 @p1 $0x1  }
0x15: {  	[smem:$0x3FB4] =	sst s0;
	s0 =	simm.s32 @!p2 $0x0  }
0x16: {  	s3 =	sld [smem:$0x3FDB];
	s0 =	simm.s32 @p2 $0x1  }
0x17: {  	s4 =	simm.s32 $0x1BF5;
	[smem:$0x3FB6] =	sst s0  }
0x18: {  	s0 =	sld [smem:$0x3F99];
	_ =	swait.ge [sflag:s4], $0x0  }
0x19: {  	s7 =	sld [smem:$0x3F9A]  }
0x1a: {  	s8 =	sadd.s32 $0xFFFFE003, lr  }
0x1b: {  	s9 =	sadd.s32 $0xFFFFFEF7, lr;
	s5 =	simm.s32 $0xFFFFFFFF;
	p2 =	slt.u32 s8, $0xFFFFF086  }
0x1c: {  	p1 =	slt.u32 s9, $0xF7A;
	s5 =	simm.s32 @!p2 $0x0  }
0x1d: {  	s5 =	simm.s32 @p1 $0x1;
	p0 =	seq.s32 s7, s2  }
0x1e: {  	s7 =	smul.u32 @!p0 $0xF7A, s2;
	p2 =	seq.s32 @!p0 s5, $0x0  }
0x1f: {  	s9 =	smul.u32 $0xF7A, s1;
	s8 =	simm.s32 @!p0 $0x1BF5;
	p2 =	por !p2, p0  }
0x20: {  	[sflag:s8] =	ssyncset.s32 @!p0 $0xFFFFF086;
	s6 =	sadd.s32 @!p0 s3, s7;
	s7 =	simm.s32 @!p0 $0x108  }
0x21: {  	s3 =	sadd.s32 s3, s9;
	s6 =	sadd.s32 @!p0 $0x88, s6;
	s7 =	simm.s32 @p2 $0x1082  }
0x22: {  	[simem:s7], [sflag:s8] =	dma.local @!p0 [hbm:s6], $0xF7A  }
0x23: {  	s9 =	sor.u32 $0xD0000000, s2;
	s6 =	simm.s32 $0x108;
	_ =	swait.ge @!p0 [sflag:s8], $0x0  }
0x24: {  	s3 =	sadd.s32 $0x88, s3;
	s6 =	simm.s32 @!p1 $0x1082;
	[sflag:s4] =	ssyncset.s32 $0xFFFFF086  }
0x25: {  	[simem:s6], [sflag:s4] =	dma.local [hbm:s3], $0xF7A  }
0x26: {  	[smem:$0x3F9A] =	sst s1;
	(tag) =	ssettag s2;
	_ =	strace s9  }
0x27: {  	s1 =	sld [smem:$0x3FAA]  }
0x28: {  	s2 =	sld [smem:$0x3FAB]  }
0x29: {  	s4 =	sld [smem:$0x3FAD]  }
0x2a: {  	p0 =	seq.s32 s5, $0x0;
	s5 =	sld [smem:$0x3FAE]  }
0x2b: {  	s6 =	sld [smem:$0x3FAF]  }
0x2c: {  	s7 =	sld [smem:$0x3FB0]  }
0x2d: {  	s3 =	simm.s32 $0x108;
	s8 =	sld [smem:$0x3FB1]  }
0x2e: {  	s3 =	simm.s32 @!p0 $0x1082;
	s9 =	sld [smem:$0x3FB2]  }
0x2f: {  	lr =	sadd.s32 s0, s3;
	s0 =	sld [smem:$0x3FA9]  }
0x30: {  	s3 =	sld [smem:$0x3FAC]  }
0x31: {  	[smem:$0x3FB5] =	sst s10  }
0x32: {  	s10 =	sld [smem:$0x3FB3];
	_ =	sdelay $0x3  }
0x33: {  	p0 =	seq.s32 s10, $0x1;
	s10 =	sld [smem:$0x3FB5];
	_ =	sdelay $0x3  }
0x34: {  	[smem:$0x3FB5] =	sst s10  }
0x35: {  	s10 =	sld [smem:$0x3FB4];
	_ =	sdelay $0x3  }
0x36: {  	p1 =	seq.s32 s10, $0x1;
	s10 =	sld [smem:$0x3FB5];
	_ =	sdelay $0x3  }
0x37: {  	[smem:$0x3FB5] =	sst s10  }
0x38: {  	s10 =	sld [smem:$0x3FB6]  }
0x39: {  	_ = 	snop;
	(pc) =	sbr.ind lr, $3  }
0x3a: {  	_ = 	snop  }
0x3b: {  	_ = 	snop  }
0x3c: {  	p2 =	seq.s32 s10, $0x1;
	s10 =	sld [smem:$0x3FB5]  }
0x3d: {  	_ =	shalt  }
0x3e: {  	_ =	shalt  }
0x3f: {  	_ =	shalt  }
0x40: {  	_ =	shalt  }
0x41: {  	_ =	shalt  }
0x42: {  	_ =	shalt  }
0x43: {  	_ =	shalt  }
0x44: {  	_ =	shalt  }
0x45: {  	_ =	shalt  }
0x46: {  	_ =	shalt  }
0x47: {  	_ =	shalt  }
0x48: {  	_ =	shalt  }
0x49: {  	_ =	shalt  }
0x4a: {  	_ =	shalt  }
0x4b: {  	_ =	shalt  }
0x4c: {  	_ =	shalt  }
0x4d: {  	_ =	shalt  }
0x4e: {  	_ =	shalt  }
0x4f: {  	_ =	shalt  }
0x50: {  	_ =	shalt  }
0x51: {  	_ =	shalt  }
0x52: {  	_ =	shalt  }
0x53: {  	_ =	shalt  }
0x54: {  	_ =	shalt  }
0x55: {  	_ =	shalt  }
0x56: {  	_ =	shalt  }
0x57: {  	_ =	shalt  }
0x58: {  	_ =	shalt  }
0x59: {  	_ =	shalt  }
0x5a: {  	_ =	shalt  }
0x5b: {  	_ =	shalt  }
0x5c: {  	_ =	shalt  }
0x5d: {  	_ =	shalt  }
0x5e: {  	_ =	shalt  }
0x5f: {  	_ =	shalt  }
0x60: {  	_ =	shalt  }
0x61: {  	_ =	shalt  }
0x62: {  	_ =	shalt  }
0x63: {  	_ =	shalt  }
0x64: {  	_ =	shalt  }
0x65: {  	_ =	shalt  }
0x66: {  	_ =	shalt  }
0x67: {  	_ =	shalt  }
0x68: {  	_ =	shalt  }
0x69: {  	_ =	shalt  }
0x6a: {  	_ =	shalt  }
0x6b: {  	_ =	shalt  }
0x6c: {  	_ =	shalt  }
0x6d: {  	_ =	shalt  }
0x6e: {  	_ =	shalt  }
0x6f: {  	_ =	shalt  }
0x70: {  	_ =	shalt  }
0x71: {  	_ =	shalt  }
0x72: {  	_ =	shalt  }
0x73: {  	_ =	shalt  }
0x74: {  	_ =	shalt  }
0x75: {  	_ =	shalt  }
0x76: {  	_ =	shalt  }
0x77: {  	_ =	shalt  }
0x78: {  	_ =	shalt  }
0x79: {  	_ =	shalt  }
0x7a: {  	_ =	shalt  }
0x7b: {  	_ =	shalt  }
0x7c: {  	_ =	shalt  }
0x7d: {  	_ =	shalt  }
0x7e: {  	_ =	shalt  }
0x7f: {  	_ =	shalt  }
0x80: {  	_ =	shalt  }
0x81: {  	_ =	shalt  }
0x82: {  	_ =	shalt  }
0x83: {  	_ =	shalt  }
0x84: {  	_ =	shalt  }
0x85: {  	_ =	shalt  }
0x86: {  	_ =	shalt  }
0x87: {  	_ =	shalt  }
.Lfunc_end0:
.L_simem_size_0:
called_computation_lowered:
.L_overlay_start_0:
0x88: {  	s2 =	sld [smem:$0x3FD9]  }
0x89: {  	s3 =	sld [smem:$0x3FFE];
	_ =	sdelay $0x1  }
0x8a: {  	s1 =	srdreg.scid  }
0x8b: {  	s0 =	sand.u32 $0x1, s1  }
0x8c: {  	s18 =	sshll.u32 s0, $0xA;
	s2 =	sadd.s32 s3, s2  }
0x8d: {  	s2 =	sadd.s32 s2, s18  }
0x8e: {  	[smem:$0x3FC1] =	sst s2  }
0x8f: {  	_ = 	snop  }
0x90: {  	s2 =	sld [smem:$0x3FC9]  }
0x91: {  	s19 =	sld [smem:$0x3FC8]  }
0x92: {  	s4 =	sld [smem:$0x3FC7]  }
0x93: {  	s5 =	sld [smem:$0x3FC6]  }
0x94: {  	s6 =	sld [smem:$0x3FC5]  }
0x95: {  	s7 =	sld [smem:$0x3FC4]  }
0x96: {  	s8 =	sld [smem:$0x3FC3]  }
0x97: {  	s9 =	sld [smem:$0x3FD0];
	(tm) =	ssettm $0x1  }
0x98: {  	s10 =	sld [smem:$0x3FFB];
	_ =	sdelay $0x3  }
0x99: {  	_ =	strace s10  }
0x9a: {  	s10 =	sld [smem:$0x3FFC];
	_ =	sdelay $0x3  }
0x9b: {  	_ =	strace s10  }
0x9c: {  	s10 =	sld [smem:$0x3FFD];
	_ =	sdelay $0x3  }
0x9d: {  	_ =	strace s10  }
0x9e: {  	_ =	strace $0x8FFFFFFF  }
0x9f: {  	s20 =	sld [smem:$0x3FDB];
	_ =	sdelay $0x1  }
0xa0: {  	s11 =	simm.s32 $_scs_section_size  }
0xa1: {  	s12 =	simm.s32 $_size__tile_overlayer_lowered;
	s13 =	simm.s32 $_tile_overlayer_lowered  }
0xa2: {  	s23 =	simm.s32 $0x1BFF;
	s22 =	sshll.u32 s13, $0x1;
	s10 =	sadd.s32 s11, s20  }
0xa3: {  	s14 =	simm.s32 $0x0;
	s21 =	sshll.u32 s12, $0x1;
	s12 =	sadd.s32 s22, s10  }
0xa4: {  	[timem:s14], [sflag:s23] =	dma.local [hbm:s12], s21  }
0xa5: {  	_ =	swait.ge [sflag:s23], s21  }
0xa6: {  	s11 =	ssub.s32 $0x0, s21;
	[sflag:s23] =	ssyncset.done $0x0  }
0xa7: {  	[sflag:s23] =	ssyncadd.s32 s11;
	_ =	sdelay $0x1  }
0xa8: {  	s24 =	simm.s32 $0x1B8B  }
0xa9: {  	_ =	swait.ge [sflag:s24], $0x1  }
0xaa: {  	[sflag:s24] =	ssyncset.done $0x0  }
0xab: {  	s25 =	simm.s32 $0x1B8E;
	[sflag:s24] =	ssyncadd.s32 $0xFFFFFFFF  }
0xac: {  	s26 =	simm.s32 $execute0_lowered;
	[smem:$0x3FD2] =	sst s25  }
0xad: {  	s11 =	sshll.u32 s26, $0x1;
	_ =	strace $0x80000046;
	[dreg:$0x1] =	wrdreg $0xFFFFFFFF  }
0xae: {  	s28 =	simm.s32 $_size_execute0_lowered;
	s10 =	sadd.s32 s10, s11;
	[dreg:$0x0] =	wrdreg $0x0  }
0xaf: {  	s11 =	sshll.u32 s28, $0x1;
	[dreg:$0x2] =	wrdreg s10  }
0xb0: {  	[dreg:$0x3] =	wrdreg s11  }
0xb1: {  	[dreg:$0x4] =	wrdreg $0xC0  }
0xb2: {  	_ =	task [dreg:s14], $0x5FFFF  }
0xb3: {  	[dreg:$0x1] =	wrdreg $0xFFFFFFFF  }
0xb4: {  	[dreg:$0x0] =	wrdreg $0x60  }
0xb5: {  	[dreg:$0x2] =	wrdreg s2  }
0xb6: {  	[dreg:$0x3] =	wrdreg s19  }
0xb7: {  	[dreg:$0x4] =	wrdreg s4  }
0xb8: {  	[dreg:$0x5] =	wrdreg s5  }
0xb9: {  	[dreg:$0x6] =	wrdreg s6  }
0xba: {  	[dreg:$0x7] =	wrdreg s7  }
0xbb: {  	[dreg:$0x8] =	wrdreg s8  }
0xbc: {  	[dreg:$0x9] =	wrdreg s9  }
0xbd: {  	[dreg:$0xa] =	wrdreg $0x9  }
0xbe: {  	_ =	task.clear_ibuf [dreg:s14], $0xBFFFF;
	_ =	strace $0x90000046  }
0xbf: {  	s29 =	simm.s32 $0x9;
	_ =	strace $0x80000048  }
0xc0: {  	_ =	swait.ge [sflag:s29], $0x1  }
0xc1: {  	[sflag:s29] =	ssyncadd.s32 $0xFFFFFFFF  }
0xc2: {  	_ =	strace $0x90000048  }
0xc3: {  	_ =	sfence  }
0xc4: {  	s30 =	sld [smem:$0x0];
	_ =	sdelay $0x2  }
0xc5: {  	s31 =	sshll.u32 s1, $0xD;
	s1 =	sshrl.u32 s1, $0x2  }
0xc6: {  	s3 =	sand.u32 $0x4000, s31;
	s1 =	sadd.s32 s1, s30  }
0xc7: {  	s0 =	sor.u32 s3, s0;
	s1 =	sshll.u32 s1, $0x11  }
0xc8: {  	s0 =	sor.u32 s1, s0  }
0xc9: {  	s0 =	sadd.s32 $0x8F2B, s0  }
0xca: {  	[sflag:s0] =	ssyncadd.remote.s32 $0x1  }
0xcb: {  	_ =	sfence.sel $0xFFFF  }
0xcc: {  	[dreg:$0x0] =	wrdreg $0xFFFFFFFF;
	(pc) =	sbr.abs _section_cstart, $3  }
0xcd: {  	[dreg:$0x1] =	wrdreg $0xFFFFFFFF  }
0xce: {  	_ =	task.clear_ibuf [dreg:s14], $0x2FFFF;
	_ =	strace $0x9FFFFFFF  }
0xcf: {  	(tm) =	ssettm $0x7FFFFFFF  }
tec
execute0_lowered:
.L_overlay_start_1:
0x0: {  	(tag) =	ssettag $0x1  }
0x1: {  	s0 =	rddreg [dreg:$0x0]  }
0x2: {  	s3 =	rddreg [dreg:$0x1]  }
0x3: {  	s1 =	rddreg [dreg:$0x2]  }
0x4: {  	s2 =	rddreg [dreg:$0x3]  }
0x5: {  	s4 =	rddreg [dreg:$0x7];
	s5 =	srdreg.scid;
	s7 =	simm.s32 $0x0  }
0x6: {  	s6 =	stileid.u32;
	s13 =	simm.s32 $0x100;
	s17 =	simm.s32 $0x1  }
0x7: {  	s18 =	simm.s32 $0x80;
	s20 =	simm.s32 $0x480;
	s23 =	simm.s32 $0x4480  }
0x8: {  	s28 =	simm.s32 $0x3;
	s29 =	simm.s32 $0x4;
	s30 =	simm.s32 $0x5  }
0x9: {  	s31 =	simm.s32 $0x0;
	s5 =	sand.u32 $0x1, s5;
	[smem:$0x7FF] =	sst s7  }
0xa: {  	s6 =	sshll.u32 s6, $0x9;
	s8 =	sshll.u32 s5, $0x8;
	s5 =	ssub.s32 $0x2, s5  }
0xb: {  	_ =	strace $0x80000047;
	s6 =	sor.u32 s8, s6;
	s26 =	sshrl.u32 s5, $0x1  }
0xc: {  	s10 =	sshrl.u32 s6, $0x3;
	s6 =	sshll.u32 s6, $0x4;
	s5 =	ssub.s32 s5, s26  }
0xd: {  	s26 =	simm.s32 $0x2;
	s8 =	sadd.s32 s0, s10;
	s9 =	sadd.s32 s4, s6  }
0xe: {  	s10 =	sadd.s32 s3, s10;
	s12 =	smax.u32 s5, $0x1;
	s11 =	sadd.s32 $0x800, s9  }
.LBB2_1:
0xf: {  	[tilespmem:s7], [sflag:$0x1] =	stream.linear.gather [hbm4b:s8+s7], $0x100, $0x38;
	[tilespmem:$0x10680] =	vst v63  }
0x10: {  	_ = 	snop  }
0x11: {  	[tilespmem:s13], [sflag:$0x1] =	stream.linear.gather [hbm4b:s10+s7], $0x100, $0x38;
	[tilespmem:$0x10680] =	vst v63  }
0x12: {  	s0 =	rddreg [dreg:$0x5];
	s3 =	simm.s32 $0x10580  }
0x13: {  	[tilespmem:s3], [sflag:$0x2] =	stream.linear.gather [hbm4b:s0+s7], $0x80, $0x38;
	[tilespmem:$0x10680] =	vst v63  }
0x14: {  	s19 =	rddreg [dreg:$0x6];
	s21 =	simm.s32 $0x10600  }
0x15: {  	[tilespmem:s21], [sflag:$0x2] =	stream.linear.gather [hbm4b:s19+s7], $0x80, $0x38;
	[tilespmem:$0x10680] =	vst v63  }
0x16: {  	s22 =	rddreg [dreg:$0x4];
	s24 =	simm.s32 $0x10480  }
0x17: {  	[tilespmem:s24], [sflag:$0x2] =	stream.linear.gather [hbm4b:s22+s7], $0x100, $0x38;
	[tilespmem:$0x10680] =	vst v63  }
0x18: {  	_ =	swait.ge [sflag:s17], $0x100  }
0x19: {  	[sflag:s17] =	ssyncset.done $0x0  }
0x1a: {  	[sflag:s17] =	ssyncadd.s32 $0xFFFFFF00  }
0x1b: {  	_ =	swait.ge [sflag:s17], $0x100  }
0x1c: {  	[sflag:s17] =	ssyncset.done $0x0  }
0x1d: {  	s25 =	simm.s32 $0x10;
	[sflag:s17] =	ssyncadd.s32 $0xFFFFFF00  }
0x1e: {  	v3 =	vld [tilespmem:s25+$0xFFFFFFF0]  }
0x1f: {  	v1 =	vld [tilespmem:s25+$0x0];
	_ =	sdelay $0x3  }
0x20: {  	s0 =	simm.s32 $0x210;
	s3 =	simm.s32 $0x30;
	v2 =	vand.u32 $0x3FFFFFFF, v3  }
0x21: {  	v0 =	vld [tilespmem:s3+$0xFFFFFFF0];
	v4 =	vand.u32 $0x3FFFFFFF, v1;
	[tilespmem:s0+$0xFFFFFFF0] =	vst v2  }
0x22: {  	s4 =	simm.s32 $0x310;
	s6 =	simm.s32 $0x20;
	s5 =	simm.s32 $0x310;
	v3 =	vshrl.u32 v3, $0x1E;
	v2 =	vshrl.u32 v1, $0x1E;
	v1 =	vld [tilespmem:s3+$0x0];
	[tilespmem:s0+$0x0] =	vst v4  }
.LBB2_2:
0x23: {  	s6 =	sadd.s32 $0x20, s6  }
0x24: {  	[tilespmem:s4+$0xFFFFFFF0] =	vst v3;
	s5 =	sadd.s32 $0x20, s5;
	s0 =	sadd.s32 $0x20, s0;
	p0 =	slt.u32 s6, $0xE0  }
.Ltmp0:
0x25: {  	[tilespmem:s4+$0x0] =	vst v2;
	s4 =	smov.u32 s5;
	(pc) =	sbr.rel @p0 .LBB2_2-.Ltmp0, $4  }
0x26: {  	_ = 	snop  }
0x27: {  	s3 =	sadd.s32 $0x20, s3;
	v2 =	vand.u32 $0x3FFFFFFF, v0;
	v3 =	vmov v0  }
0x28: {  	v0 =	vld [tilespmem:s3+$0xFFFFFFF0];
	[tilespmem:s0+$0xFFFFFFF0] =	vst v2;
	v4 =	vand.u32 $0x3FFFFFFF, v1;
	v2 =	vshrl.u32 v1, $0x1E  }
0x29: {  	v3 =	vshrl.u32 v3, $0x1E;
	v1 =	vld [tilespmem:s3+$0x0];
	[tilespmem:s0+$0x0] =	vst v4  }
0x2a: {  	_ =	sdelay $0x1  }
0x2b: {  	[tilespmem:s4+$0xFFFFFFF0] =	vst v3  }
0x2c: {  	s0 =	sadd.s32 $0x20, s0;
	[tilespmem:s4+$0x0] =	vst v2;
	v2 =	vand.u32 $0x3FFFFFFF, v0  }
0x2d: {  	[tilespmem:s0+$0xFFFFFFF0] =	vst v2;
	v2 =	vand.u32 $0x3FFFFFFF, v1  }
0x2e: {  	s3 =	sadd.s32 $0x20, s5;
	v0 =	vshrl.u32 v0, $0x1E;
	[tilespmem:s0+$0x0] =	vst v2  }
0x2f: {  	v1 =	vshrl.u32 v1, $0x1E;
	[tilespmem:s3+$0xFFFFFFF0] =	vst v0  }
0x30: {  	s22 =	simm.s32 $0x200;
	[tilespmem:s3+$0x0] =	vst v1  }
0x31: {  	[tilespmem:s20], [sflag:$0x3] =	stream.indirect.gather [hbm4b:s1+s18], $0x80, s22, s18, $0xb8;
	[tilespmem:$0x10680] =	vst v63  }
0x32: {  	s24 =	simm.s32 $0x8480  }
0x33: {  	[tilespmem:s24], [sflag:$0x4] =	stream.indirect.gather [hbm4b:s2+s18], $0x80, s13, s18, $0xb8;
	[tilespmem:$0x10680] =	vst v63  }
0x34: {  	s25 =	simm.s32 $0x280  }
0x35: {  	[tilespmem:s23], [sflag:$0x3] =	stream.indirect.gather [hbm4b:s1+s18], $0x80, s25, s18, $0xb8;
	[tilespmem:$0x10680] =	vst v63  }
0x36: {  	s4 =	simm.s32 $0xC480;
	s3 =	simm.s32 $0x180  }
0x37: {  	[tilespmem:s4], [sflag:$0x4] =	stream.indirect.gather [hbm4b:s2+s18], $0x80, s3, s18, $0xb8;
	[tilespmem:$0x10680] =	vst v63  }
0x38: {  	_ =	swait.ge [sflag:s26], $0x80  }
0x39: {  	[sflag:s26] =	ssyncset.done $0x0  }
0x3a: {  	[sflag:s26] =	ssyncadd.s32 $0xFFFFFF80  }
0x3b: {  	_ =	swait.ge [sflag:s26], $0x80  }
0x3c: {  	[sflag:s26] =	ssyncset.done $0x0  }
0x3d: {  	[sflag:s26] =	ssyncadd.s32 $0xFFFFFF80  }
0x3e: {  	_ =	swait.ge [sflag:s26], $0x100  }
0x3f: {  	[sflag:s26] =	ssyncset.done $0x0  }
0x40: {  	[sflag:s26] =	ssyncadd.s32 $0xFFFFFF00  }
0x41: {  	v13 =	vld [tilespmem:$0x10580]  }
0x42: {  	v11 =	vld [tilespmem:$0x10590]  }
0x43: {  	v9 =	vld [tilespmem:$0x105A0]  }
0x44: {  	v6 =	vld [tilespmem:$0x105B0]  }
0x45: {  	v1 =	vld [tilespmem:$0x105C0]  }
0x46: {  	v3 =	vld [tilespmem:$0x105D0]  }
0x47: {  	v2 =	vld [tilespmem:$0x105E0]  }
0x48: {  	v15 =	vld [tilespmem:$0x105F0]  }
0x49: {  	v12 =	vld [tilespmem:$0x10600]  }
0x4a: {  	v0 =	vld [tilespmem:$0x10650]  }
0x4b: {  	v10 =	vld [tilespmem:$0x10610]  }
0x4c: {  	v8 =	vld [tilespmem:$0x10620]  }
0x4d: {  	v7 =	vld [tilespmem:$0x10630]  }
0x4e: {  	v5 =	vld [tilespmem:$0x10640]  }
0x4f: {  	v4 =	vld [tilespmem:$0x10660];
	[tilespmem:$0x1FF60] =	vst v0  }
0x50: {  	v14 =	vld [tilespmem:$0x10670];
	_ =	swait.ge [sflag:s28], $0x4000  }
0x51: {  	[sflag:s28] =	ssyncset.done $0x0  }
0x52: {  	[sflag:s28] =	ssyncadd.s32 $0xFFFFC000  }
0x53: {  	_ =	swait.ge [sflag:s29], $0x4000  }
0x54: {  	[sflag:s29] =	ssyncset.done $0x0  }
0x55: {  	s5 =	simm.s32 $0x301;
	[sflag:s29] =	ssyncadd.s32 $0xFFFFC000  }
0x56: {  	v16 =	vld [tilespmem:s5+$0x0];
	_ =	sdelay $0x4  }
0x57: {  	(v2sf) =	vpush v16, $0x0;
	_ =	sdelay $0x5  }
0x58: {  	s0 =	simm.s32 $0x500  }
0x59: {  	v17 =	vld [tilespmem:s0+$0x60]  }
0x5a: {  	v19 =	vld [tilespmem:s0+$0x50]  }
0x5b: {  	v20 =	vld [tilespmem:s0+$0x40]  }
0x5c: {  	v21 =	vld [tilespmem:s0+$0x30]  }
0x5d: {  	s6 =	simm.s32 $0x8500;
	v22 =	vld [tilespmem:s0+$0x20]  }
0x5e: {  	v23 =	vld [tilespmem:s6+$0x20]  }
0x5f: {  	v24 =	vld [tilespmem:s0+$0x0]  }
0x60: {  	v16 =	vld [tilespmem:s5+$0xFFFFFFFF]  }
0x61: {  	v25 =	vld [tilespmem:s6+$0x0];
	s14 =	spop (v2sf)  }
0x62: {  	v26 =	vld [tilespmem:s0+$0x10];
	s4 =	sshll.u32 s14, $0x9  }
0x63: {  	v27 =	vld [tilespmem:s6+$0x10];
	s4 =	sshra.s32 s4, $0x2  }
0x64: {  	v28 =	vld [tilespmem:s4+$0x10480]  }
0x65: {  	(v2sf) =	vpush v16, $0x0;
	v16 =	vld [tilespmem:s4+$0x10490]  }
0x66: {  	v30 =	vld [tilespmem:s4+$0x104A0]  }
0x67: {  	v29 =	vld [tilespmem:s6+$0x30]  }
0x68: {  	v31 =	vld [tilespmem:s6+$0x40];
	v24 =	vadd.f32 v25, v24  }
0x69: {  	v32 =	vld [tilespmem:s6+$0x50];
	v26 =	vadd.f32 v27, v26;
	v22 =	vadd.f32 v23, v22  }
0x6a: {  	v23 =	vld [tilespmem:s4+$0x104B0];
	v27 =	vadd.f32 v28, v24  }
0x6b: {  	v28 =	vadd.f32 v16, v26;
	v16 =	vld [tilespmem:s4+$0x104C0];
	v0 =	vadd.f32 v30, v22  }
0x6c: {  	v18 =	vld [tilespmem:s6+$0x60];
	v21 =	vadd.f32 v29, v21  }
0x6d: {  	v20 =	vadd.f32 v31, v20;
	v24 =	vld [tilespmem:s4+$0x104D0];
	[tilespmem:$0x1FEA0] =	vst v0;
	v22 =	vmul.f32 v27, v27;
	v29 =	vmul.f32 v28, v28  }
0x6e: {  	v19 =	vadd.f32 v32, v19;
	v30 =	vadd.f32 v28, v27;
	v31 =	vld [tilespmem:s0+$0x70]  }
0x6f: {  	v25 =	vadd.f32 v23, v21;
	v23 =	vmul.f32 v0, v0;
	v54 =	vld [tilespmem:s4+$0x104E0];
	v22 =	vadd.f32 v29, v22  }
0x70: {  	v21 =	vld [tilespmem:s6+$0x70];
	v30 =	vadd.f32 v0, v30;
	v26 =	vadd.f32 v16, v20  }
0x71: {  	v17 =	vadd.f32 v18, v17;
	[tilespmem:$0x1FEB0] =	vst v25;
	v20 =	vmul.f32 v25, v25;
	v16 =	vadd.f32 v23, v22  }
0x72: {  	v24 =	vadd.f32 v24, v19;
	v18 =	vadd.f32 v25, v30;
	v22 =	vld [tilespmem:s4+$0x104F0];
	[tilespmem:$0x1FEC0] =	vst v26  }
0x73: {  	v19 =	vmul.f32 v26, v26;
	v16 =	vadd.f32 v20, v16;
	v20 =	vld [tilespmem:s0+$0xFFFFFF80]  }
0x74: {  	s15 =	spop (v2sf);
	v18 =	vadd.f32 v26, v18;
	v23 =	vld [tilespmem:s6+$0xFFFFFF80];
	v25 =	vadd.f32 v54, v17;
	[tilespmem:$0x1FED0] =	vst v24  }
0x75: {  	s4 =	sshll.u32 s15, $0x9;
	v21 =	vadd.f32 v21, v31;
	v17 =	vmul.f32 v24, v24;
	v16 =	vadd.f32 v19, v16;
	v19 =	vld [tilespmem:s0+$0xFFFFFF90]  }
0x76: {  	s4 =	sshra.s32 s4, $0x2;
	v18 =	vadd.f32 v24, v18;
	v24 =	vld [tilespmem:s6+$0xFFFFFF90];
	[tilespmem:$0x1FEE0] =	vst v25  }
0x77: {  	v32 =	vadd.f32 v22, v21;
	v21 =	vld [tilespmem:s4+$0x10480];
	v16 =	vadd.f32 v17, v16;
	v17 =	vmul.f32 v25, v25  }
0x78: {  	v22 =	vld [tilespmem:s4+$0x10490];
	v18 =	vadd.f32 v25, v18  }
0x79: {  	v35 =	vld [tilespmem:s0+$0xFFFFFFA0];
	v16 =	vadd.f32 v17, v16;
	v17 =	vmul.f32 v32, v32  }
0x7a: {  	v36 =	vld [tilespmem:s6+$0xFFFFFFA0];
	v18 =	vadd.f32 v32, v18  }
0x7b: {  	v37 =	vld [tilespmem:s4+$0x104B0];
	v16 =	vadd.f32 v17, v16  }
0x7c: {  	v38 =	vld [tilespmem:s0+$0xFFFFFFC0];
	(xrf2) =	vadd.scan.msk.f32 $0xffff, v18  }
0x7d: {  	v39 =	vld [tilespmem:s6+$0xFFFFFFC0];
	(xrf2) =	vadd.scan.msk.f32 $0xffff, v16  }
0x7e: {  	v40 =	vld [tilespmem:s4+$0x104C0]  }
0x7f: {  	s16 =	simm.s32 $0x303;
	v41 =	vld [tilespmem:s0+$0xFFFFFFD0]  }
0x80: {  	v33 =	vld [tilespmem:s16+$0x0]  }
0x81: {  	v42 =	vld [tilespmem:s6+$0xFFFFFFD0]  }
0x82: {  	v43 =	vld [tilespmem:s4+$0x104D0]  }
0x83: {  	v44 =	vld [tilespmem:s0+$0xFFFFFFE0]  }
0x84: {  	v45 =	vld [tilespmem:s6+$0xFFFFFFE0]  }
0x85: {  	v46 =	vld [tilespmem:s4+$0x104E0]  }
0x86: {  	v47 =	vld [tilespmem:s0+$0xFFFFFFF0];
	v34, _, _ =	vpop (xrf2)  }
0x87: {  	v48 =	vld [tilespmem:s6+$0xFFFFFFF0];
	(v2sf) =	vpush v34, $0xF;
	v55, _, _ =	vpop (xrf2)  }
0x88: {  	s19 =	simm.s32 $0x8600;
	v49 =	vld [tilespmem:s4+$0x104F0];
	(v2sf) =	vpush v55, $0xF  }
0x89: {  	v51 =	vld [tilespmem:s19+$0x50];
	(v2sf) =	vpush v33, $0x0  }
0x8a: {  	v62 =	vld [tilespmem:s19+$0x10]  }
0x8b: {  	v18 =	vld [tilespmem:s0+$0xFFFFFFB0]  }
0x8c: {  	v16 =	vld [tilespmem:s6+$0xFFFFFFB0]  }
0x8d: {  	v19 =	vadd.f32 v24, v19;
	v17 =	vld [tilespmem:s4+$0x104A0]  }
0x8e: {  	v20 =	vadd.f32 v23, v20;
	v23 =	vld [tilespmem:s16+$0xFFFFFFFF];
	s6 =	simm.s32 $0x600  }
0x8f: {  	v24 =	vld [tilespmem:s6+$0x60];
	v34 =	vadd.f32 v22, v19  }
0x90: {  	v52 =	vld [tilespmem:s6+$0x30];
	v19 =	vadd.f32 v36, v35;
	v33 =	vadd.f32 v21, v20  }
0x91: {  	v53 =	vld [tilespmem:s6+$0x20];
	v16 =	vadd.f32 v16, v18  }
0x92: {  	v59 =	vld [tilespmem:s6+$0x0];
	v50 =	vmul.f32 v34, v34;
	v35 =	vadd.f32 v17, v19;
	v21 =	vmul.f32 v33, v33  }
0x93: {  	v61 =	vld [tilespmem:s6+$0x10];
	v36 =	vadd.f32 v37, v16;
	v16 =	vadd.f32 v39, v38  }
0x94: {  	v22 =	vld [tilespmem:s6+$0x50];
	v57 =	vmul.f32 v35, v35;
	(v2sf) =	vpush v23, $0x0;
	v17 =	vadd.f32 v50, v21  }
0x95: {  	v19 =	vld [tilespmem:s6+$0x40];
	v37 =	vadd.f32 v40, v16;
	v16 =	vadd.f32 v42, v41  }
0x96: {  	v58 =	vmul.f32 v36, v36;
	v42 =	vld [tilespmem:s6+$0x70];
	v56 =	vadd.f32 v34, v33;
	v17 =	vadd.f32 v57, v17;
	s21 =	spop (v2sf)  }
0x97: {  	v20 =	vld [tilespmem:s19+$0x60];
	v38 =	vadd.f32 v43, v16;
	v16 =	vadd.f32 v45, v44;
	s22 =	spop (v2sf)  }
0x98: {  	v23 =	vld [tilespmem:s19+$0x0];
	v60 =	vmul.f32 v37, v37;
	v18 =	vadd.f32 v35, v56;
	v17 =	vadd.f32 v58, v17;
	s14 =	spop (v2sf)  }
0x99: {  	v25 =	vadd.f32 v46, v16;
	v46 =	vld [tilespmem:s19+$0xFFFFFF80];
	s14 =	sshll.u32 s14, $0x9  }
0x9a: {  	v43 =	vmul.f32 v38, v38;
	v50 =	vld [tilespmem:s19+$0x20];
	v18 =	vadd.f32 v36, v18;
	v17 =	vadd.f32 v60, v17;
	s14 =	sshra.s32 s14, $0x2  }
0x9b: {  	v54 =	vadd.f32 v48, v47;
	v16 =	vld [tilespmem:s14+$0x10480]  }
0x9c: {  	v55 =	vmul.f32 v25, v25;
	v18 =	vadd.f32 v37, v18;
	v17 =	vadd.f32 v43, v17;
	v63 =	vld [tilespmem:s14+$0x10490]  }
0x9d: {  	v47 =	vadd.f32 v49, v54;
	v22 =	vadd.f32 v51, v22;
	v21 =	vld [tilespmem:s19+$0x40]  }
0x9e: {  	v56 =	vld [tilespmem:s19+$0x30];
	v18 =	vadd.f32 v38, v18;
	v43 =	vadd.f32 v55, v17  }
0x9f: {  	v17 =	vadd.f32 v23, v59;
	v23 =	vadd.f32 v62, v61;
	v57 =	vld [tilespmem:s14+$0x104A0]  }
0xa0: {  	v18 =	vadd.f32 v25, v18;
	v59 =	vadd.f32 v50, v53;
	v53 =	vld [tilespmem:s19+$0x70]  }
0xa1: {  	v58 =	vld [tilespmem:s14+$0x104B0];
	v16 =	vadd.f32 v16, v17;
	v17 =	vadd.f32 v63, v23  }
0xa2: {  	v24 =	vadd.f32 v20, v24;
	v41 =	vadd.f32 v47, v18;
	v18 =	vmul.f32 v47, v47;
	v45 =	vld [tilespmem:s14+$0x104D0]  }
0xa3: {  	v60 =	vadd.f32 v56, v52;
	s15 =	spop (v2sf);
	v49 =	vld [tilespmem:s14+$0x104C0];
	v61 =	vmul.f32 v16, v16;
	v62 =	vmul.f32 v17, v17  }
0xa4: {  	v43 =	vadd.f32 v18, v43;
	s15 =	sshll.u32 s15, $0x9;
	v56 =	vld [tilespmem:s14+$0x104E0];
	v18 =	vadd.f32 v57, v59  }
0xa5: {  	(xrf2) =	vadd.scan.msk.f32 $0xffff, v41;
	s24 =	sshra.s32 s15, $0x2;
	v63 =	vadd.f32 v17, v16;
	v57 =	vadd.f32 v62, v61;
	v61 =	vld [tilespmem:s14+$0x104F0]  }
0xa6: {  	v19 =	vadd.f32 v21, v19;
	(xrf2) =	vadd.scan.msk.f32 $0xffff, v43;
	v43 =	vld [tilespmem:s24+$0x10490];
	v21 =	vadd.f32 v58, v60;
	v58 =	vmul.f32 v18, v18  }
0xa7: {  	v42 =	vadd.f32 v53, v42;
	v23 =	vld [tilespmem:s6+$0xFFFFFF80];
	v59 =	vadd.f32 v18, v63  }
0xa8: {  	v60 =	vld [tilespmem:s6+$0xFFFFFF90];
	v19 =	vadd.f32 v49, v19;
	v62 =	vmul.f32 v21, v21;
	v44 =	vadd.f32 v58, v57  }
0xa9: {  	v20 =	vadd.f32 v45, v22;
	v45 =	vld [tilespmem:s24+$0x10480];
	v41 =	vadd.f32 v21, v59  }
0xaa: {  	v54 =	vmul.f32 v19, v19;
	v63 =	vld [tilespmem:s19+$0xFFFFFF90];
	v44 =	vadd.f32 v62, v44;
	v0 =	vadd.f32 v61, v42  }
0xab: {  	v22 =	vadd.f32 v56, v24;
	v24 =	vld [tilespmem:s6+$0xFFFFFFA0];
	v41 =	vadd.f32 v19, v41  }
0xac: {  	v56 =	vmul.f32 v20, v20;
	v57 =	vld [tilespmem:s19+$0xFFFFFFA0];
	v55 =	vadd.f32 v54, v44;
	[tilespmem:$0x1FF50] =	vst v0  }
0xad: {  	v41 =	vadd.f32 v20, v41;
	v49 =	vld [tilespmem:s24+$0x104A0]  }
0xae: {  	v23 =	vadd.f32 v46, v23;
	v58 =	vmul.f32 v22, v22;
	v40 =	vadd.f32 v56, v55;
	v52 =	vld [tilespmem:s6+$0xFFFFFFB0]  }
0xaf: {  	v60 =	vadd.f32 v63, v60;
	v54, _, _ =	vpop (xrf2);
	v41 =	vadd.f32 v22, v41;
	v53 =	vld [tilespmem:s19+$0xFFFFFFB0]  }
0xb0: {  	v59 =	vmul.f32 v0, v0;
	(v2sf) =	vpush v54, $0xF;
	v55 =	vld [tilespmem:s24+$0x104B0];
	v40 =	vadd.f32 v58, v40  }
0xb1: {  	v26 =	vadd.f32 v43, v60;
	v54 =	vld [tilespmem:s6+$0xFFFFFFC0];
	v41 =	vadd.f32 v0, v41  }
0xb2: {  	v61 =	vld [tilespmem:s19+$0xFFFFFFC0];
	v0 =	vadd.f32 v45, v23;
	v40 =	vadd.f32 v59, v40  }
0xb3: {  	v24 =	vadd.f32 v57, v24;
	v62 =	vld [tilespmem:s24+$0x104C0];
	[tilespmem:$0x1FF90] =	vst v26;
	(xrf2) =	vadd.scan.msk.f32 $0xffff, v41  }
0xb4: {  	[tilespmem:$0x1FF80] =	vst v0;
	(xrf2) =	vadd.scan.msk.f32 $0xffff, v40;
	v40 =	vadd.f32 v26, v0  }
0xb5: {  	v45 =	vmul.f32 v0, v0;
	v23 =	vld [tilespmem:s6+$0xFFFFFFD0];
	v0 =	vadd.f32 v49, v24;
	v24 =	vadd.f32 v53, v52  }
0xb6: {  	v39 =	vld [tilespmem:s19+$0xFFFFFFD0]  }
0xb7: {  	v56 =	vld [tilespmem:s24+$0x104D0];
	[tilespmem:$0x1FFB0] =	vst v0;
	v48 =	vadd.f32 v0, v40;
	v42 =	vmul.f32 v0, v0;
	v0 =	vadd.f32 v55, v24  }
0xb8: {  	v41 =	vmul.f32 v26, v26;
	v46 =	vadd.f32 v61, v54;
	v49 =	vld [tilespmem:s6+$0xFFFFFFE0]  }
0xb9: {  	v52 =	vld [tilespmem:s19+$0xFFFFFFE0];
	[tilespmem:$0x1FFD0] =	vst v0  }
0xba: {  	s25 =	simm.s32 $0x305;
	v51 =	vadd.f32 v41, v45;
	v26 =	vadd.f32 v62, v46;
	v24 =	vld [tilespmem:s24+$0x104E0]  }
0xbb: {  	v45 =	vld [tilespmem:s25+$0x0]  }
0xbc: {  	s14 =	smul.f32 $7.812500000e-03, s21;
	v51 =	vadd.f32 v42, v51;
	v59 =	vmul.f32 v0, v0;
	v60 =	vld [tilespmem:s6+$0xFFFFFFF0];
	[tilespmem:$0x1FFE0] =	vst v26  }
0xbd: {  	v63, _, _ =	vpop (xrf2);
	v48 =	vadd.f32 v0, v48;
	v23 =	vadd.f32 v39, v23;
	v62 =	vld [tilespmem:s19+$0xFFFFFFF0];
	s19 =	smul.f32 $7.812500000e-03, s22  }
0xbe: {  	(v2sf) =	vpush v63, $0xF;
	v57 =	vmul.f32 v26, v26;
	v51 =	vadd.f32 v59, v51;
	s22 =	smul.f32 s14, s14  }
0xbf: {  	v0 =	vadd.f32 v56, v23;
	v39 =	vld [tilespmem:s24+$0x104F0];
	v48 =	vadd.f32 v26, v48  }
0xc0: {  	v61, _, _ =	vpop (xrf2);
	v23 =	vadd.f32 v52, v49;
	v40 =	vadd.f32 v57, v51;
	s5 =	ssub.f32 s19, s22  }
0xc1: {  	v41 =	vmul.f32 v0, v0;
	v48 =	vadd.f32 v0, v48;
	(v2sf) =	vpush v61, $0xF  }
0xc2: {  	v23 =	vadd.f32 v24, v23;
	v44 =	vmov s5;
	v24 =	vadd.f32 v62, v60  }
0xc3: {  	s4 =	simm.s32 $0x8700;
	v63, _, _ =	vpop (xrf2);
	v49 =	vadd.f32 v41, v40;
	v53 =	vadd.f32 $9.999999960e-13, v44  }
0xc4: {  	s3 =	simm.s32 $0x700;
	v54 =	vld [tilespmem:s4+$0x60];
	(v2sf) =	vpush v63, $0xF;
	v42 =	vmul.f32 v23, v23;
	v24 =	vadd.f32 v39, v24  }
0xc5: {  	v55 =	vld [tilespmem:s3+$0x50];
	(v2sf) =	vpush v45, $0x0;
	v48 =	vadd.f32 v23, v48;
	v45 =	vbroadcast v53, $0x0  }
0xc6: {  	v56 =	vld [tilespmem:s4+$0x50];
	v53 =	vmov s14;
	v49 =	vadd.f32 v42, v49;
	v43 =	vmul.f32 v24, v24  }
0xc7: {  	v58 =	vld [tilespmem:s3+$0x40];
	s21 =	spop (v2sf);
	v26 =	vsub.f32 v32, v53;
	v48 =	vadd.f32 v24, v48  }
0xc8: {  	v51 =	vld [tilespmem:s25+$0xFFFFFFFF];
	s16 =	smul.f32 $7.812500000e-03, s21;
	v49 =	vadd.f32 v43, v49  }
0xc9: {  	v52 =	vld [tilespmem:s3+$0x60];
	[tilespmem:$0x1FEF0] =	vst v26;
	(xrf2) =	vadd.scan.msk.f32 $0xffff, v48  }
0xca: {  	v57 =	vld [tilespmem:s3+$0x30];
	(xrf2) =	vadd.scan.msk.f32 $0xffff, v49;
	v49 =	vmov s16  }
0xcb: {  	v42 =	vsub.f32 v25, v49;
	v25 =	vld [tilespmem:$0x1FEA0]  }
0xcc: {  	v39 =	vld [tilespmem:s3+$0x20]  }
0xcd: {  	v43 =	vld [tilespmem:s4+$0x0]  }
0xce: {  	v29 =	vld [tilespmem:s3+$0x10]  }
0xcf: {  	v30 =	vld [tilespmem:s4+$0x10]  }
0xd0: {  	v60 =	vsub.f32 v33, v49;
	v33 =	vld [tilespmem:s4+$0x20];
	v25 =	vsub.f32 v25, v53  }
0xd1: {  	v63 =	vsub.f32 v35, v49;
	v35 =	vld [tilespmem:s3+$0x0]  }
0xd2: {  	[tilespmem:$0x1FF00] =	vst v25;
	v25 =	vld [tilespmem:$0x1FEB0];
	_ =	sdelay $0x4  }
0xd3: {  	v25 =	vsub.f32 v25, v53;
	_ =	sdelay $0x1  }
0xd4: {  	s24 =	spop (v2sf);
	[tilespmem:$0x1FF10] =	vst v25;
	v25 =	vld [tilespmem:$0x1FEC0]  }
0xd5: {  	s21 =	spop (v2sf)  }
0xd6: {  	s25 =	smul.f32 $7.812500000e-03, s24;
	s22 =	spop (v2sf)  }
0xd7: {  	s19 =	smul.f32 s16, s16;
	s24 =	spop (v2sf)  }
0xd8: {  	s5 =	sshll.u32 s24, $0x9  }
0xd9: {  	s19 =	ssub.f32 s25, s19;
	s5 =	sshra.s32 s5, $0x2;
	v25 =	vsub.f32 v25, v53  }
0xda: {  	v31 =	vld [tilespmem:s5+$0x10480]  }
0xdb: {  	v46 =	vmov s19;
	[tilespmem:$0x1FF20] =	vst v25;
	v25 =	vld [tilespmem:$0x1FED0]  }
0xdc: {  	v48 =	vadd.f32 $9.999999960e-13, v46  }
0xdd: {  	(v2sf) =	vpush v51, $0x0;
	v51 =	vsub.f32 v28, v53;
	v28 =	vld [tilespmem:$0x1FEE0]  }
0xde: {  	v59 =	vshrl.u32 v45, $0x1  }
0xdf: {  	v62 =	vmul.f32 $5.000000000e-01, v45;
	v32 =	vbroadcast v48, $0x0;
	v61 =	vsub.f32 v34, v49  }
0xe0: {  	v41 =	vsub.f32 v36, v49;
	v36 =	vsub.s32 $0x5F3759DF, v59;
	v25 =	vsub.f32 v25, v53  }
0xe1: {  	v44 =	vshrl.u32 v32, $0x1;
	v34 =	vmul.f32 $5.000000000e-01, v32;
	v26 =	vmul.f32 v36, v62  }
0xe2: {  	v48 =	vsub.f32 v38, v49;
	v38 =	vsub.s32 $0x5F3759DF, v44;
	v28 =	vsub.f32 v28, v53  }
0xe3: {  	v45 =	vsub.f32 v37, v49;
	v59 =	vsub.f32 v27, v53;
	v27 =	vmul.f32 v38, v34;
	[tilespmem:$0x1FF30] =	vst v25  }
0xe4: {  	v47 =	vsub.f32 v47, v49;
	v30 =	vadd.f32 v30, v29;
	v46 =	vld [tilespmem:s5+$0x10490];
	[tilespmem:$0x1FF40] =	vst v28;
	v25, _, _ =	vpop (xrf2)  }
0xe5: {  	v27 =	vmul.f32 v38, v27;
	v28 =	vld [tilespmem:s4+$0x30];
	(v2sf) =	vpush v25, $0xF;
	v25 =	vmul.f32 v36, v26;
	v26, _, _ =	vpop (xrf2)  }
0xe6: {  	v49 =	vld [tilespmem:s5+$0x104A0];
	(v2sf) =	vpush v26, $0xF;
	v26 =	vadd.f32 v43, v35  }
0xe7: {  	v39 =	vadd.f32 v33, v39;
	v27 =	vsub.f32 $1.500000000e+00, v27;
	v50 =	vld [tilespmem:s4+$0x40]  }
0xe8: {  	v29 =	vld [tilespmem:s5+$0x104B0];
	v25 =	vsub.f32 $1.500000000e+00, v25;
	v33 =	vadd.f32 v31, v26  }
0xe9: {  	v32 =	vadd.f32 v46, v30;
	v26 =	vld [tilespmem:s5+$0x104D0];
	v30 =	vadd.f32 v54, v52  }
0xea: {  	v27 =	vmul.f32 v38, v27;
	v38 =	vld [tilespmem:s3+$0x70];
	v46 =	vadd.f32 v56, v55;
	v28 =	vadd.f32 v28, v57  }
0xeb: {  	v31 =	vld [tilespmem:s5+$0x104C0];
	v35 =	vadd.f32 v49, v39;
	v43 =	vmul.f32 v33, v33;
	v44 =	vmul.f32 v32, v32  }
0xec: {  	v25 =	vmul.f32 v36, v25;
	v37 =	vadd.f32 v50, v58;
	v49 =	vmul.f32 v27, v34;
	v50 =	vld [tilespmem:s4+$0x70]  }
0xed: {  	s14 =	smul.f32 $7.812500000e-03, s21;
	v36 =	vadd.f32 v29, v28;
	v29 =	vmul.f32 v35, v35;
	v28 =	vadd.f32 v44, v43  }
0xee: {  	s15 =	smul.f32 $7.812500000e-03, s22;
	v58 =	vmul.f32 v49, v27;
	v34 =	vadd.f32 v26, v46;
	v26 =	vmul.f32 v25, v62;
	v62 =	vld [tilespmem:s5+$0x104E0]  }
0xef: {  	s25 =	smul.f32 s14, s14;
	v49 =	vadd.f32 v32, v33;
	v28 =	vadd.f32 v29, v28;
	v29 =	vmul.f32 v36, v36  }
0xf0: {  	v37 =	vadd.f32 v31, v37;
	v39 =	vsub.f32 $1.500000000e+00, v58;
	v26 =	vmul.f32 v26, v25  }
0xf1: {  	s15 =	ssub.f32 s15, s25;
	v56 =	vadd.f32 v50, v38;
	v28 =	vadd.f32 v29, v28  }
0xf2: {  	v50 =	vld [tilespmem:s5+$0x104F0];
	v29 =	vadd.f32 v35, v49;
	v26 =	vsub.f32 $1.500000000e+00, v26  }
0xf3: {  	s19 =	spop (v2sf);
	v54 =	vld [tilespmem:s4+$0xFFFFFF80];
	v27 =	vmul.f32 v39, v27;
	v38 =	vadd.f32 v62, v30;
	v30 =	vmov s15  }
0xf4: {  	s16 =	sshll.u32 s19, $0x9;
	v52 =	vld [tilespmem:s4+$0xFFFFFF90];
	v58 =	vmul.f32 v26, v25;
	v25 =	vadd.f32 $9.999999960e-13, v30;
	v26 =	vadd.f32 v36, v29  }
0xf5: {  	s21 =	sshra.s32 s16, $0x2;
	v44 =	vld [tilespmem:s3+$0xFFFFFF80];
	v55 =	vmul.f32 v27, v63;
	v53 =	vmul.f32 v27, v45  }
0xf6: {  	v43 =	vld [tilespmem:s21+$0x10480];
	v48 =	vmul.f32 v27, v48;
	v25 =	vbroadcast v25, $0x0;
	v26 =	vadd.f32 v37, v26  }
0xf7: {  	v39 =	vld [tilespmem:s4+$0xFFFFFFA0];
	v62 =	vmul.f32 v37, v37;
	v29 =	vadd.f32 v50, v56;
	v50 =	vmul.f32 v27, v41  }
0xf8: {  	v63 =	vld [tilespmem:s3+$0xFFFFFFA0];
	v41 =	vshrl.u32 v25, $0x1;
	v30 =	vmul.f32 $5.000000000e-01, v25;
	v25 =	vadd.f32 v34, v26  }
0xf9: {  	v45 =	vld [tilespmem:s21+$0x104A0];
	v49 =	vmul.f32 v27, v42;
	v47 =	vmul.f32 v27, v47;
	v40 =	vadd.f32 v62, v28  }
0xfa: {  	v42 =	vld [tilespmem:s3+$0xFFFFFFB0];
	v62 =	vmul.f32 v27, v60;
	v60 =	vmul.f32 v27, v61;
	v28 =	vadd.f32 v38, v25  }
0xfb: {  	v27 =	vadd.f32 v54, v44;
	v56 =	vsub.s32 $0x5F3759DF, v41;
	v41 =	vld [tilespmem:s4+$0xFFFFFFB0];
	v25 =	vmul.f32 v34, v34  }
0xfc: {  	v57 =	vld [tilespmem:s3+$0xFFFFFF90];
	v28 =	vadd.f32 v29, v28  }
0xfd: {  	v40 =	vadd.f32 v25, v40;
	v25 =	vadd.f32 v43, v27;
	v27 =	vmul.f32 v38, v38  }
0xfe: {  	v61 =	vld [tilespmem:s21+$0x10490];
	(xrf2) =	vadd.scan.msk.f32 $0xffff, v28;
	v28 =	vadd.f32 v39, v63  }
0xff: {  	v31 =	vld [tilespmem:s3+$0xFFFFFFD0];
	v40 =	vadd.f32 v27, v40  }
0x100: {  	v26 =	vmul.f32 v56, v30;
	v27 =	vadd.f32 v45, v28;
	v28 =	vadd.f32 v41, v42;
	v41 =	vld [tilespmem:s4+$0xFFFFFFD0]  }
0x101: {  	v44 =	vadd.f32 v52, v57  }
0x102: {  	v46 =	vmul.f32 v56, v26  }
0x103: {  	v26 =	vadd.f32 v61, v44;
	v44 =	vmul.f32 v29, v29  }
0x104: {  	v39 =	vsub.f32 $1.500000000e+00, v46  }
0x105: {  	v46 =	vadd.f32 v44, v40;
	v40 =	vadd.f32 v41, v31;
	v31 =	vld [tilespmem:$0x1FF10];
	_ =	sdelay $0x4  }
0x106: {  	v41 =	vmul.f32 v58, v31;
	v31 =	vld [tilespmem:$0x1FF20]  }
0x107: {  	v61 =	vmul.f32 v25, v25;
	v63 =	vmul.f32 v26, v26;
	_ =	sdelay $0x1  }
0x108: {  	v52 =	vld [tilespmem:s21+$0x104B0];
	v42 =	vadd.f32 v63, v61;
	v63 =	vmul.f32 v27, v27  }
0x109: {  	v57 =	vld [tilespmem:s3+$0xFFFFFFC0]  }
0x10a: {  	v42 =	vadd.f32 v63, v42;
	v63 =	vmul.f32 v58, v31;
	v31 =	vld [tilespmem:$0x1FF30]  }
0x10b: {  	v43 =	vld [tilespmem:s4+$0xFFFFFFC0];
	v39 =	vmul.f32 v56, v39  }
0x10c: {  	v54 =	vld [tilespmem:s21+$0x104C0]  }
0x10d: {  	v61 =	vld [tilespmem:$0x1FEF0];
	v30 =	vmul.f32 v39, v30  }
0x10e: {  	v45 =	vld [tilespmem:s21+$0x104D0]  }
0x10f: {  	v56 =	vld [tilespmem:s3+$0xFFFFFFE0];
	v30 =	vmul.f32 v30, v39;
	v31 =	vmul.f32 v58, v31  }
0x110: {  	v43 =	vadd.f32 v43, v57;
	v57 =	vmul.f32 v58, v59;
	v59 =	vld [tilespmem:s4+$0xFFFFFFE0]  }
0x111: {  	[tilespmem:$0x1FFA0] =	vst v31;
	v31 =	vsub.f32 $1.500000000e+00, v30;
	v30 =	vld [tilespmem:$0x1FF40];
	_ =	sdelay $0x1  }
0x112: {  	s22 =	spop (v2sf);
	v28 =	vadd.f32 v52, v28;
	v52 =	vld [tilespmem:$0x1FF00]  }
0x113: {  	s15 =	smul.f32 $7.812500000e-03, s22;
	s25 =	spop (v2sf)  }
0x114: {  	v51 =	vmul.f32 v58, v51;
	s19 =	smul.f32 $7.812500000e-03, s25;
	v44 =	vmul.f32 v58, v61  }
0x115: {  	s24 =	smul.f32 s15, s15;
	v61 =	vmul.f32 v28, v28;
	v30 =	vmul.f32 v58, v30  }
0x116: {  	v39 =	vmul.f32 v31, v39;
	v31 =	vadd.f32 v45, v40;
	v40 =	vmul.f32 v44, v15  }
0x117: {  	s16 =	ssub.f32 s19, s24;
	v52 =	vmul.f32 v58, v52;
	v58 =	vadd.f32 v59, v56;
	[tilespmem:$0x1FFC0] =	vst v30;
	v30 =	vadd.f32 v54, v43  }
0x118: {  	v42 =	vadd.f32 v61, v42;
	v44 =	vmul.f32 v62, v13;
	v40 =	vadd.f32 v40, v14  }
0x119: {  	v45 =	vmul.f32 v60, v11;
	v60 =	vmov s16;
	[tilespmem:$0x1FFF0] =	vst v58;
	v61 =	vmul.f32 v30, v30  }
0x11a: {  	v54 =	vadd.f32 $9.999999960e-13, v60;
	[tilespmem:s0+$0x70] =	vst v40  }
0x11b: {  	v49 =	vmul.f32 v49, v2;
	v44 =	vadd.f32 v44, v12;
	v56 =	vadd.f32 v61, v42;
	v61 =	vld [tilespmem:$0x1FF50]  }
0x11c: {  	v50 =	vmul.f32 v50, v6;
	v45 =	vadd.f32 v45, v10;
	v59, _, _ =	vpop (xrf2);
	v62 =	vbroadcast v54, $0x0  }
0x11d: {  	(v2sf) =	vpush v59, $0xF;
	v59 =	vmul.f32 v55, v9;
	v54 =	vmul.f32 v47, v15;
	[tilespmem:s0+$0xFFFFFF80] =	vst v44  }
0x11e: {  	v47 =	vmov s14;
	v43 =	vshrl.u32 v62, $0x1;
	v60 =	vmul.f32 $5.000000000e-01, v62;
	v55 =	vld [tilespmem:$0x1FF60]  }
0x11f: {  	v42 =	vmul.f32 v53, v1;
	v53 =	vadd.f32 v59, v8;
	v59 =	vsub.s32 $0x5F3759DF, v43  }
0x120: {  	v40 =	vadd.f32 v50, v7;
	v58 =	vmul.f32 v59, v60;
	v62 =	vsub.f32 v61, v47  }
0x121: {  	v48 =	vmul.f32 v48, v3;
	v49 =	vadd.f32 v49, v4;
	[tilespmem:s0+$0xFFFFFF90] =	vst v45  }
0x122: {  	[tilespmem:s0+$0xFFFFFFB0] =	vst v40;
	v58 =	vmul.f32 v59, v58;
	v61 =	vmul.f32 v39, v62;
	v62 =	vadd.f32 v26, v25  }
0x123: {  	(xrf2) =	vadd.scan.msk.f32 $0xffff, v46;
	[tilespmem:s0+$0xFFFFFFE0] =	vst v49;
	v42 =	vadd.f32 v42, v5;
	v44 =	vadd.f32 v48, v55  }
0x124: {  	v46 =	vmul.f32 v52, v9;
	[tilespmem:s0+$0xFFFFFFA0] =	vst v53;
	v48 =	vsub.f32 $1.500000000e+00, v58;
	v55 =	vld [tilespmem:s3+$0xFFFFFFF0];
	v43 =	vadd.f32 v27, v62  }
0x125: {  	[tilespmem:s0+$0xFFFFFFC0] =	vst v42;
	v40 =	vmul.f32 v61, v15;
	v61 =	vld [tilespmem:s21+$0x104E0]  }
0x126: {  	v53 =	vmul.f32 v59, v48;
	v59 =	vadd.f32 v46, v8;
	[tilespmem:s0+$0xFFFFFFD0] =	vst v44;
	v46 =	vadd.f32 v28, v43;
	v43 =	vld [tilespmem:s4+$0xFFFFFFF0]  }
0x127: {  	v42 =	vmul.f32 v63, v1;
	[tilespmem:$0x1FF70] =	vst v1;
	v1 =	vld [tilespmem:$0x1FF80];
	_ =	sdelay $0x3  }
0x128: {  	v48 =	vmov s15  }
0x129: {  	v49 =	vsub.f32 v1, v48;
	v1 =	vld [tilespmem:$0x1FF90];
	_ =	sdelay $0x1  }
0x12a: {  	v45 =	vadd.f32 v54, v14;
	_ =	sdelay $0x1  }
0x12b: {  	[tilespmem:s0+$0xFFFFFFF0] =	vst v45  }
0x12c: {  	v50 =	vsub.f32 v1, v48;
	v1 =	vld [tilespmem:$0x1FFA0];
	_ =	sdelay $0x4  }
0x12d: {  	v57 =	vmul.f32 v57, v13;
	v58 =	vadd.f32 v40, v14;
	v40 =	vmul.f32 v1, v3;
	v1 =	vld [tilespmem:$0x1FFB0];
	_ =	sdelay $0x1  }
0x12e: {  	v54 =	vadd.f32 v57, v12  }
0x12f: {  	v51 =	vmul.f32 v51, v11  }
0x130: {  	[tilespmem:s0+$0x0] =	vst v54  }
0x131: {  	v57 =	vadd.f32 v51, v10;
	v51 =	vsub.f32 v1, v48;
	v1 =	vld [tilespmem:$0x1FFC0];
	_ =	sdelay $0x2  }
0x132: {  	v41 =	vmul.f32 v41, v6;
	_ =	sdelay $0x1  }
0x133: {  	v62 =	vadd.f32 v41, v7;
	v41 =	vmul.f32 v1, v2;
	v1 =	vld [tilespmem:$0x1FFD0];
	_ =	sdelay $0x4  }
0x134: {  	v52 =	vsub.f32 v1, v48;
	v1 =	vld [tilespmem:$0x1FFE0];
	_ =	sdelay $0x3  }
0x135: {  	[tilespmem:s0+$0x10] =	vst v57  }
0x136: {  	v45 =	vadd.f32 v30, v46;
	v46 =	vsub.f32 v1, v48;
	v1 =	vld [tilespmem:$0x1FFF0];
	_ =	sdelay $0x2  }
0x137: {  	v63 =	vld [tilespmem:s21+$0x104F0];
	_ =	sdelay $0x1  }
0x138: {  	v45 =	vadd.f32 v31, v45;
	v54, _, _ =	vpop (xrf2);
	v57 =	vmul.f32 v31, v31;
	v44 =	vadd.f32 v61, v1  }
0x139: {  	v43 =	vadd.f32 v43, v55;
	(v2sf) =	vpush v54, $0xF;
	[tilespmem:s0+$0x20] =	vst v59;
	v61 =	vmul.f32 v53, v60  }
0x13a: {  	v55 =	vadd.f32 v57, v56;
	[tilespmem:s0+$0x30] =	vst v62;
	v56 =	vadd.f32 v44, v45;
	v57 =	vmul.f32 v44, v44  }
0x13b: {  	s5 =	simm.s32 $0x700;
	s14 =	simm.s32 $0x4;
	s15 =	simm.s32 $0x307;
	[tilespmem:s6+$0x70] =	vst v58;
	v54 =	vmul.f32 v61, v53;
	v45 =	vadd.f32 v63, v43;
	v43 =	vsub.f32 v0, v48  }
.LBB2_4:
0x13c: {  	v58 =	vld [tilespmem:s15+$0x0];
	v60 =	vsub.f32 v23, v48;
	v48 =	vsub.f32 v24, v48  }
0x13d: {  	v62 =	vsub.f32 v17, v47;
	v63 =	vsub.f32 v19, v47  }
0x13e: {  	v55 =	vadd.f32 v57, v55;
	v54 =	vsub.f32 $1.500000000e+00, v54;
	v59 =	vmul.f32 v45, v45  }
0x13f: {  	v23 =	vmovc v44;
	v42 =	vadd.f32 v42, v5;
	v56 =	vadd.f32 v45, v56;
	v62 =	vmul.f32 v39, v62  }
0x140: {  	v17 =	vmovc v32;
	v0 =	vld [tilespmem:$0x1FF60];
	v44 =	vmul.f32 v54, v53;
	v53 =	vsub.f32 v16, v47;
	v61 =	vadd.f32 v59, v55  }
0x141: {  	v57 =	vld [tilespmem:s15+$0xFFFFFFFF];
	v63 =	vmul.f32 v39, v63;
	v16 =	vmovc v33;
	(xrf2) =	vadd.scan.msk.f32 $0xffff, v56;
	v55 =	vsub.f32 v18, v47;
	(v2sf) =	vpush v58, $0x0  }
0x142: {  	v18 =	vmovc v35;
	v59 =	vsub.f32 v20, v47;
	v32 =	vmul.f32 v44, v49;
	v35 =	vmul.f32 v44, v50  }
0x143: {  	v20 =	vmovc v34;
	v56 =	vsub.f32 v22, v47;
	v33 =	vmul.f32 v44, v51;
	v34 =	vmul.f32 v44, v52  }
0x144: {  	v49 =	vsub.f32 v21, v47;
	(xrf2) =	vadd.scan.msk.f32 $0xffff, v61;
	v61 =	vmul.f32 v44, v46;
	v58 =	vmul.f32 v44, v60  }
0x145: {  	s3 =	sadd.s32 $0x100, s3;
	v1 =	vld [tilespmem:$0x1FF70];
	v24 =	vmovc v45;
	v47 =	vmul.f32 v39, v53;
	v40 =	vadd.f32 v40, v0;
	v45 =	vmul.f32 v39, v55  }
0x146: {  	s4 =	sadd.s32 $0x100, s4;
	(v2sf) =	vpush v57, $0x0;
	v57 =	vmul.f32 v44, v43;
	v44 =	vmul.f32 v44, v48;
	v48 =	vld [tilespmem:s3+$0x60];
	[tilespmem:s0+$0x40] =	vst v42  }
0x147: {  	v21 =	vmov v36;
	v36 =	vmul.f32 v39, v59;
	v51 =	vmul.f32 v62, v11;
	v52 =	vld [tilespmem:s4+$0x60];
	[tilespmem:s0+$0x50] =	vst v40;
	s16 =	spop (v2sf)  }
0x148: {  	v41 =	vadd.f32 v41, v4;
	v42 =	vmul.f32 v39, v49;
	v39 =	vmul.f32 v39, v56;
	v50 =	vld [tilespmem:s3+$0x50];
	s19 =	smul.f32 $7.812500000e-03, s16;
	s25 =	spop (v2sf)  }
0x149: {  	v32 =	vmul.f32 v32, v13;
	v35 =	vmul.f32 v35, v11;
	v56 =	vld [tilespmem:s3+$0x20];
	s16 =	smul.f32 $7.812500000e-03, s25  }
0x14a: {  	v22 =	vmov v38;
	v33 =	vmul.f32 v33, v9;
	[tilespmem:s0+$0x60] =	vst v41;
	v38 =	vmul.f32 v57, v3;
	v57 =	vld [tilespmem:s3+$0x0];
	s21 =	smul.f32 s19, s19  }
0x14b: {  	v19 =	vmov v37;
	v34 =	vmul.f32 v34, v6;
	v37 =	vmul.f32 v61, v1;
	v46 =	vld [tilespmem:s4+$0x50]  }
0x14c: {  	v43 =	vmul.f32 v58, v2;
	v45 =	vmul.f32 v45, v9;
	v53 =	vld [tilespmem:s3+$0x40];
	s16 =	ssub.f32 s16, s21  }
0x14d: {  	v44 =	vmul.f32 v44, v15;
	v54 =	vld [tilespmem:s4+$0x40];
	v32 =	vadd.f32 v32, v12;
	v35 =	vadd.f32 v35, v10  }
0x14e: {  	s0 =	smov.u32 s6;
	v55 =	vld [tilespmem:s3+$0x30];
	v33 =	vadd.f32 v33, v8;
	v58 =	vmul.f32 v42, v6;
	v60 =	vmov s16  }
0x14f: {  	v34 =	vadd.f32 v34, v7;
	[tilespmem:s0+$0xFFFFFF80] =	vst v32;
	v32 =	vmul.f32 v47, v13;
	v47 =	vld [tilespmem:s4+$0x20];
	v40 =	vadd.f32 $9.999999960e-13, v60  }
0x150: {  	v42 =	vmul.f32 v63, v1;
	v43 =	vadd.f32 v43, v4;
	v44 =	vadd.f32 v44, v14;
	[tilespmem:s0+$0xFFFFFF90] =	vst v35;
	v35 =	vld [tilespmem:s3+$0x10];
	v59, _, _ =	vpop (xrf2);
	s21 =	spop (v2sf)  }
0x151: {  	[tilespmem:s0+$0xFFFFFFB0] =	vst v34;
	v34 =	vadd.f32 v37, v5;
	(v2sf) =	vpush v59, $0xF;
	v59 =	vld [tilespmem:s4+$0x0];
	s16 =	sshll.u32 s21, $0x9;
	v62 =	vbroadcast v40, $0x0  }
0x152: {  	v41 =	vmul.f32 v39, v2;
	[tilespmem:s0+$0xFFFFFFA0] =	vst v33;
	v33 =	vld [tilespmem:s4+$0x10];
	v37 =	vadd.f32 v38, v0;
	v52 =	vadd.f32 v52, v48;
	s21 =	sshra.s32 s16, $0x2  }
0x153: {  	v32 =	vadd.f32 v32, v12;
	v61, _, _ =	vpop (xrf2);
	v38 =	vld [tilespmem:s21+$0x10480];
	v63 =	vshrl.u32 v62, $0x1;
	v49 =	vmul.f32 $5.000000000e-01, v62  }
0x154: {  	[tilespmem:s0+$0xFFFFFFC0] =	vst v34;
	(v2sf) =	vpush v61, $0xF;
	v40 =	vmul.f32 v36, v3;
	v60 =	vld [tilespmem:s21+$0x10490];
	v36 =	vsub.s32 $0x5F3759DF, v63  }
0x155: {  	v34 =	vadd.f32 v51, v10;
	v51 =	vld [tilespmem:s4+$0x30];
	[tilespmem:s0+$0xFFFFFFD0] =	vst v37;
	v37 =	vadd.f32 v45, v8;
	v39 =	vmul.f32 v36, v49  }
0x156: {  	v45 =	vadd.f32 v58, v7;
	v57 =	vadd.f32 v59, v57;
	v58 =	vld [tilespmem:s21+$0x104A0]  }
0x157: {  	v46 =	vadd.f32 v46, v50;
	v35 =	vadd.f32 v33, v35;
	v59 =	vld [tilespmem:s21+$0x104D0];
	v39 =	vmul.f32 v36, v39  }
0x158: {  	[tilespmem:s0+$0xFFFFFFE0] =	vst v43;
	v61 =	vadd.f32 v47, v56;
	v62 =	vld [tilespmem:s21+$0x104B0];
	v33 =	vadd.f32 v38, v57  }
0x159: {  	v43 =	vld [tilespmem:s3+$0x70];
	[tilespmem:s0+$0x0] =	vst v32;
	v32 =	vadd.f32 v60, v35;
	v39 =	vsub.f32 $1.500000000e+00, v39  }
0x15a: {  	v56 =	vadd.f32 v54, v53;
	v55 =	vadd.f32 v51, v55;
	v63 =	vld [tilespmem:s21+$0x104C0];
	[tilespmem:s0+$0x10] =	vst v34  }
0x15b: {  	v50 =	vld [tilespmem:s3+$0xFFFFFF80];
	[tilespmem:s0+$0x20] =	vst v37;
	v35 =	vadd.f32 v58, v61;
	v57 =	vadd.f32 v32, v33;
	v39 =	vmul.f32 v36, v39  }
0x15c: {  	v53 =	vld [tilespmem:s3+$0xFFFFFF90];
	[tilespmem:s0+$0x30] =	vst v45;
	v34 =	vadd.f32 v59, v46;
	v59 =	vmul.f32 v33, v33;
	v60 =	vmul.f32 v32, v32  }
0x15d: {  	v61 =	vadd.f32 v35, v57;
	v36 =	vadd.f32 v62, v55;
	v58 =	vmul.f32 v39, v49;
	v49 =	vld [tilespmem:s4+$0x70]  }
0x15e: {  	[tilespmem:s0+$0xFFFFFFF0] =	vst v44;
	v47 =	vmov s19;
	v38 =	vld [tilespmem:s21+$0x104E0];
	v45 =	vadd.f32 v60, v59;
	v62 =	vmul.f32 v35, v35  }
0x15f: {  	v51 =	vld [tilespmem:s4+$0xFFFFFF80];
	s22 =	spop (v2sf);
	v37 =	vadd.f32 v63, v56;
	v63 =	vadd.f32 v36, v61;
	v44 =	vmul.f32 v58, v39  }
0x160: {  	v29 =	vsub.f32 v29, v47;
	s22 =	sshll.u32 s22, $0x9;
	s24 =	spop (v2sf);
	v55 =	vld [tilespmem:s21+$0x104F0];
	v45 =	vadd.f32 v62, v45;
	v60 =	vmul.f32 v36, v36  }
0x161: {  	s16 =	sshra.s32 s22, $0x2;
	s22 =	smul.f32 $7.812500000e-03, s24;
	v56 =	vld [tilespmem:s4+$0xFFFFFF90];
	v54 =	vadd.f32 v37, v63;
	v44 =	vsub.f32 $1.500000000e+00, v44  }
0x162: {  	v61 =	vmul.f32 v37, v37;
	v45 =	vadd.f32 v60, v45;
	v43 =	vadd.f32 v49, v43;
	v49 =	vld [tilespmem:s16+$0x10490]  }
0x163: {  	s25 =	spop (v2sf);
	s24 =	smul.f32 s22, s22;
	v38 =	vadd.f32 v38, v52;
	v62 =	vadd.f32 v34, v54;
	v39 =	vmul.f32 v44, v39;
	v44 =	vld [tilespmem:s16+$0x10480]  }
0x164: {  	v50 =	vadd.f32 v51, v50;
	v51 =	vld [tilespmem:s3+$0xFFFFFFA0];
	s25 =	smul.f32 $7.812500000e-03, s25;
	v60 =	vmul.f32 v34, v34;
	v45 =	vadd.f32 v61, v45  }
0x165: {  	v57 =	vld [tilespmem:s4+$0xFFFFFFA0];
	v61 =	vadd.f32 v38, v62;
	v63 =	vmul.f32 v39, v29;
	v29 =	vadd.f32 v55, v43  }
0x166: {  	s25 =	ssub.f32 s25, s24;
	v53 =	vadd.f32 v56, v53;
	v54 =	vld [tilespmem:s16+$0x104A0];
	v45 =	vadd.f32 v60, v45  }
0x167: {  	v55 =	vld [tilespmem:s3+$0xFFFFFFB0];
	v62 =	vmul.f32 v63, v15;
	v63 =	vmul.f32 v38, v38;
	v43 =	vadd.f32 v29, v61  }
0x168: {  	v60 =	vmov s25;
	v53 =	vadd.f32 v49, v53;
	v44 =	vadd.f32 v44, v50;
	v50 =	vld [tilespmem:s4+$0xFFFFFFB0]  }
0x169: {  	v46 =	vld [tilespmem:s4+$0xFFFFFFC0];
	v61 =	vmul.f32 v29, v29;
	v52 =	vadd.f32 v62, v14;
	v45 =	vadd.f32 v63, v45  }
0x16a: {  	v48 =	vmov s22;
	v58 =	vld [tilespmem:s16+$0x104B0];
	(xrf2) =	vadd.scan.msk.f32 $0xffff, v43;
	v43 =	vadd.f32 $9.999999960e-13, v60;
	v62 =	vadd.f32 v57, v51  }
0x16b: {  	v51 =	vld [tilespmem:s3+$0xFFFFFFC0];
	v63 =	vmul.f32 v44, v44;
	v60 =	vadd.f32 v53, v44;
	v45 =	vadd.f32 v61, v45  }
0x16c: {  	v59 =	vld [tilespmem:s16+$0x104C0];
	v61 =	vmul.f32 v53, v53;
	v43 =	vbroadcast v43, $0x0;
	v54 =	vadd.f32 v54, v62  }
0x16d: {  	s6 =	smov.u32 s5;
	v49 =	vsub.f32 v25, v48;
	(xrf2) =	vadd.scan.msk.f32 $0xffff, v45;
	v62 =	vadd.f32 v50, v55;
	v45 =	vld [tilespmem:s3+$0xFFFFFFD0]  }
0x16e: {  	[tilespmem:s6+$0x70] =	vst v52;
	v52 =	vadd.f32 v61, v63;
	v63 =	vshrl.u32 v43, $0x1;
	v55 =	vld [tilespmem:s4+$0xFFFFFFD0];
	v56 =	vadd.f32 v54, v60  }
0x16f: {  	v57 =	vmul.f32 v54, v54;
	v43 =	vmul.f32 $5.000000000e-01, v43;
	v50 =	vsub.f32 v26, v48;
	v26 =	vmovc v53;
	v53 =	vld [tilespmem:s3+$0xFFFFFFE0]  }
0x170: {  	v25 =	vmovc v44;
	v61 =	vld [tilespmem:s4+$0xFFFFFFE0];
	v60 =	vsub.s32 $0x5F3759DF, v63;
	v46 =	vadd.f32 v46, v51;
	v44 =	vadd.f32 v58, v62  }
0x171: {  	v51 =	vsub.f32 v27, v48;
	v58 =	vld [tilespmem:s16+$0x104D0];
	v0 =	vadd.f32 v57, v52;
	v52 =	vmul.f32 v60, v43  }
0x172: {  	v27 =	vmovc v54;
	v54 =	vadd.f32 v59, v46;
	v59 =	vld [tilespmem:s16+$0x104E0];
	v56 =	vadd.f32 v44, v56;
	v62 =	vmul.f32 v44, v44  }
0x173: {  	v46 =	vmul.f32 v60, v52;
	v52 =	vsub.f32 v28, v48;
	v28 =	vmovc v44;
	v44 =	vadd.f32 v55, v45;
	v45 =	vld [tilespmem:s3+$0xFFFFFFF0]  }
0x174: {  	v55 =	vadd.f32 v62, v0;
	v62 =	vld [tilespmem:s4+$0xFFFFFFF0];
	v56 =	vadd.f32 v54, v56  }
0x175: {  	s14 =	sadd.s32 $0x2, s14;
	v63 =	vmul.f32 v54, v54;
	v0 =	vsub.f32 $1.500000000e+00, v46;
	v46 =	vsub.f32 v30, v48  }
0x176: {  	p0 =	slt.u32 s14, $0x7E;
	v1 =	vld [tilespmem:s16+$0x104F0];
	v57, _, _ =	vpop (xrf2);
	v58 =	vadd.f32 v58, v44;
	v44 =	vadd.f32 v61, v53  }
.Ltmp1:
0x177: {  	(v2sf) =	vpush v57, $0xF;
	v53 =	vmul.f32 v60, v0;
	v0 =	vadd.f32 v63, v55;
	(pc) =	sbr.rel @p0 .LBB2_4-.Ltmp1, $4  }
0x178: {  	v61 =	vmul.f32 v58, v58;
	v44 =	vadd.f32 v59, v44;
	v63 =	vadd.f32 v58, v56;
	v57, _, _ =	vpop (xrf2)  }
0x179: {  	v43 =	vmul.f32 v53, v43;
	(v2sf) =	vpush v57, $0xF;
	v45 =	vadd.f32 v62, v45  }
0x17a: {  	v30 =	vmovc v54;
	v55 =	vadd.f32 v61, v0;
	v56 =	vadd.f32 v44, v63;
	v57 =	vmul.f32 v44, v44  }
0x17b: {  	s15 =	sadd.s32 $0x2, s15;
	s5 =	smov.u32 s3;
	v54 =	vmul.f32 v43, v53;
	v43 =	vsub.f32 v31, v48;
	v31 =	vmovc v58;
	v45 =	vadd.f32 v1, v45  }
0x17c: {  	_ = 	snop  }
0x17d: {  	v0 =	vadd.f32 v45, v56  }
0x17e: {  	v1 =	vadd.f32 v57, v55;
	v57 =	vmul.f32 v45, v45  }
0x17f: {  	(xrf2) =	vadd.scan.msk.f32 $0xffff, v0  }
0x180: {  	v0 =	vadd.f32 v57, v1;
	_ =	sdelay $0x1  }
0x181: {  	(xrf2) =	vadd.scan.msk.f32 $0xffff, v0;
	_ =	sdelay $0x6  }
0x182: {  	v0, _, _ =	vpop (xrf2)  }
0x183: {  	(v2sf) =	vpush v0, $0xF;
	_ =	sdelay $0x1  }
0x184: {  	v0, _, _ =	vpop (xrf2)  }
0x185: {  	(v2sf) =	vpush v0, $0xF;
	_ =	sdelay $0x2  }
0x186: {  	s3 =	spop (v2sf)  }
0x187: {  	s4 =	smul.f32 $7.812500000e-03, s3;
	s15 =	spop (v2sf)  }
0x188: {  	v16 =	vsub.f32 v16, v47;
	v17 =	vsub.f32 v17, v47;
	s3 =	smul.f32 $7.812500000e-03, s15  }
0x189: {  	v18 =	vsub.f32 v18, v47;
	v21 =	vsub.f32 v21, v47;
	s14 =	smul.f32 s4, s4  }
0x18a: {  	v19 =	vsub.f32 v19, v47;
	v20 =	vsub.f32 v20, v47;
	v16 =	vmul.f32 v39, v16  }
0x18b: {  	v17 =	vmul.f32 v39, v17;
	v18 =	vmul.f32 v39, v18;
	s3 =	ssub.f32 s3, s14;
	v0 =	vsub.f32 $1.500000000e+00, v54  }
0x18c: {  	v22 =	vsub.f32 v22, v47;
	v21 =	vmul.f32 v39, v21;
	v19 =	vmul.f32 v39, v19  }
0x18d: {  	v1 =	vsub.f32 v23, v48;
	v23 =	vmov s3;
	v0 =	vmul.f32 v0, v53  }
0x18e: {  	v20 =	vmul.f32 v39, v20;
	v22 =	vmul.f32 v39, v22;
	v23 =	vadd.f32 $9.999999960e-13, v23  }
0x18f: {  	v16 =	vmul.f32 v16, v13;
	v58 =	vmul.f32 v0, v49;
	s16 =	spop (v2sf)  }
0x190: {  	v59 =	vmul.f32 v0, v50;
	v23 =	vbroadcast v23, $0x0;
	s3 =	smul.f32 $7.812500000e-03, s16  }
0x191: {  	v24 =	vsub.f32 v24, v48;
	v62 =	vmul.f32 v0, v51;
	v63 =	vmul.f32 v0, v52  }
0x192: {  	v56 =	vld [tilespmem:$0x1FF60];
	v46 =	vmul.f32 v0, v46;
	v60 =	vshrl.u32 v23, $0x1;
	v23 =	vmul.f32 $5.000000000e-01, v23;
	s15 =	spop (v2sf);
	s19 =	smul.f32 s3, s3  }
0x193: {  	v43 =	vmul.f32 v0, v43;
	v1 =	vmul.f32 v0, v1;
	v52 =	vsub.s32 $0x5F3759DF, v60;
	s15 =	smul.f32 $7.812500000e-03, s15  }
0x194: {  	v55 =	vld [tilespmem:$0x1FF70];
	v0 =	vmul.f32 v0, v24;
	v24 =	vmul.f32 v52, v23  }
0x195: {  	v42 =	vadd.f32 v42, v5;
	v17 =	vmul.f32 v17, v11;
	v18 =	vmul.f32 v18, v9;
	s14 =	ssub.f32 s15, s19  }
0x196: {  	v41 =	vadd.f32 v41, v4;
	v21 =	vmul.f32 v21, v6;
	v24 =	vmul.f32 v52, v24  }
0x197: {  	v20 =	vmul.f32 v20, v3;
	v40 =	vadd.f32 v40, v56;
	v61 =	vmov s14  }
0x198: {  	v22 =	vmul.f32 v22, v2;
	v24 =	vsub.f32 $1.500000000e+00, v24;
	v47 =	vadd.f32 $9.999999960e-13, v61  }
0x199: {  	v19 =	vmul.f32 v19, v55;
	v16 =	vadd.f32 v16, v12;
	v17 =	vadd.f32 v17, v10  }
0x19a: {  	v18 =	vadd.f32 v18, v8;
	v24 =	vmul.f32 v52, v24;
	v47 =	vbroadcast v47, $0x0  }
0x19b: {  	v21 =	vadd.f32 v21, v7;
	v20 =	vadd.f32 v20, v56;
	v50 =	vmul.f32 v62, v9  }
0x19c: {  	v23 =	vmul.f32 v24, v23;
	v62 =	vshrl.u32 v47, $0x1;
	v47 =	vmul.f32 $5.000000000e-01, v47  }
0x19d: {  	v19 =	vadd.f32 v19, v5;
	v51 =	vmul.f32 v63, v6;
	v52 =	vsub.s32 $0x5F3759DF, v62  }
0x19e: {  	[tilespmem:s6+$0x10] =	vst v17;
	v57 =	vmov s4;
	v23 =	vmul.f32 v23, v24;
	v63 =	vmul.f32 v52, v47  }
0x19f: {  	[tilespmem:s6+$0x40] =	vst v19;
	v19 =	vadd.f32 v22, v4;
	v17 =	vsub.f32 v32, v57  }
0x1a0: {  	v48 =	vmul.f32 v58, v13;
	v23 =	vsub.f32 $1.500000000e+00, v23;
	v53 =	vmul.f32 v52, v63  }
0x1a1: {  	[tilespmem:s6+$0x20] =	vst v18;
	v18 =	vsub.f32 v36, v57;
	v49 =	vmul.f32 v59, v11;
	v46 =	vmul.f32 v46, v55  }
0x1a2: {  	[tilespmem:s0+$0x40] =	vst v42;
	v23 =	vmul.f32 v23, v24;
	v24 =	vsub.f32 v29, v57;
	v29 =	vsub.f32 $1.500000000e+00, v53  }
0x1a3: {  	[tilespmem:s0+$0x60] =	vst v41;
	v36 =	vsub.f32 v37, v57;
	v43 =	vmul.f32 v43, v3;
	v1 =	vmul.f32 v1, v2  }
0x1a4: {  	[tilespmem:s0+$0x50] =	vst v40;
	v48 =	vadd.f32 v48, v12;
	v49 =	vadd.f32 v49, v10;
	v29 =	vmul.f32 v52, v29  }
0x1a5: {  	[tilespmem:s6+$0x0] =	vst v16;
	v0 =	vmul.f32 v0, v15;
	v50 =	vadd.f32 v50, v8;
	v51 =	vadd.f32 v51, v7  }
0x1a6: {  	[tilespmem:s6+$0x30] =	vst v21;
	v58 =	vadd.f32 v46, v5;
	v59 =	vadd.f32 v43, v56;
	v60 =	vmul.f32 v29, v47  }
0x1a7: {  	[tilespmem:s6+$0x50] =	vst v20;
	v1 =	vadd.f32 v1, v4;
	v0 =	vadd.f32 v0, v14;
	v61 =	vmov s3  }
0x1a8: {  	[tilespmem:s6+$0x60] =	vst v19;
	v25 =	vsub.f32 v25, v61;
	v26 =	vsub.f32 v26, v61;
	v41 =	vmul.f32 v60, v29  }
0x1a9: {  	[tilespmem:s6+$0xFFFFFFE0] =	vst v1;
	v27 =	vsub.f32 v27, v61;
	v1 =	vsub.f32 v28, v61;
	v24 =	vmul.f32 v23, v24  }
0x1aa: {  	[tilespmem:s6+$0xFFFFFF80] =	vst v48;
	v28 =	vsub.f32 v30, v61;
	v17 =	vmul.f32 v23, v17;
	v62 =	vsub.f32 $1.500000000e+00, v41  }
0x1ab: {  	[tilespmem:s6+$0xFFFFFFF0] =	vst v0;
	v0 =	vsub.f32 v31, v61;
	v18 =	vmul.f32 v23, v18;
	v24 =	vmul.f32 v24, v15  }
0x1ac: {  	[tilespmem:s6+$0xFFFFFF90] =	vst v49;
	v30 =	vsub.f32 v44, v61;
	v17 =	vmul.f32 v17, v11;
	v29 =	vmul.f32 v62, v29  }
0x1ad: {  	[tilespmem:s6+$0xFFFFFFA0] =	vst v50;
	v16 =	vsub.f32 v45, v61;
	v31 =	vsub.f32 v33, v57;
	v18 =	vmul.f32 v18, v6  }
0x1ae: {  	[tilespmem:s6+$0xFFFFFFB0] =	vst v51;
	v24 =	vadd.f32 v24, v14;
	v17 =	vadd.f32 v17, v10;
	v25 =	vmul.f32 v29, v25  }
0x1af: {  	[tilespmem:s6+$0xFFFFFFC0] =	vst v58;
	v18 =	vadd.f32 v18, v7;
	v26 =	vmul.f32 v29, v26;
	v21 =	vmul.f32 v29, v27  }
0x1b0: {  	v63 =	vsub.f32 v35, v57;
	[tilespmem:s5+$0x70] =	vst v24;
	v1 =	vmul.f32 v29, v1;
	v24 =	vmul.f32 v25, v13  }
0x1b1: {  	[tilespmem:s6+$0xFFFFFFD0] =	vst v59;
	v27 =	vsub.f32 v34, v57;
	v0 =	vmul.f32 v29, v0;
	v22 =	vmul.f32 v26, v11  }
0x1b2: {  	[tilespmem:s5+$0x10] =	vst v17;
	v16 =	vmul.f32 v29, v16;
	v20 =	vmul.f32 v21, v9;
	v21 =	vadd.f32 v24, v12  }
0x1b3: {  	[tilespmem:s5+$0x30] =	vst v18;
	v25 =	vmul.f32 v29, v28;
	v0 =	vmul.f32 v0, v3;
	v19 =	vadd.f32 v22, v10  }
0x1b4: {  	v26 =	vsub.f32 v38, v57;
	v1 =	vmul.f32 v1, v6;
	v20 =	vadd.f32 v20, v8;
	[tilespmem:s5+$0xFFFFFF80] =	vst v21  }
0x1b5: {  	v16 =	vmul.f32 v16, v15;
	v22 =	vmul.f32 v29, v30;
	v0 =	vadd.f32 v0, v56;
	[tilespmem:s5+$0xFFFFFF90] =	vst v19  }
0x1b6: {  	v24 =	vmul.f32 v25, v55;
	v1 =	vadd.f32 v1, v7;
	v19 =	vmul.f32 v23, v31;
	[tilespmem:s5+$0xFFFFFFA0] =	vst v20  }
0x1b7: {  	v16 =	vadd.f32 v16, v14;
	v21 =	vmul.f32 v22, v2;
	[tilespmem:s5+$0xFFFFFFD0] =	vst v0;
	v0 =	vmul.f32 v23, v36  }
0x1b8: {  	v20 =	vadd.f32 v24, v5;
	[tilespmem:s5+$0xFFFFFFB0] =	vst v1;
	v1 =	vmul.f32 v23, v63;
	v19 =	vmul.f32 v19, v13  }
0x1b9: {  	[tilespmem:s5+$0xFFFFFFF0] =	vst v16;
	v16 =	vmul.f32 v23, v26;
	v21 =	vadd.f32 v21, v4;
	v0 =	vmul.f32 v0, v55  }
0x1ba: {  	[tilespmem:s5+$0xFFFFFFC0] =	vst v20;
	v1 =	vmul.f32 v1, v9;
	v20 =	vmul.f32 v23, v27;
	v19 =	vadd.f32 v19, v12  }
0x1bb: {  	v16 =	vmul.f32 v16, v2;
	[tilespmem:s5+$0xFFFFFFE0] =	vst v21;
	v0 =	vadd.f32 v0, v5  }
0x1bc: {  	v1 =	vadd.f32 v1, v8;
	[tilespmem:s5+$0x0] =	vst v19;
	v19 =	vmul.f32 v20, v3  }
0x1bd: {  	[tilespmem:s5+$0x40] =	vst v0;
	v0 =	vadd.f32 v16, v4  }
0x1be: {  	[tilespmem:s5+$0x20] =	vst v1;
	v1 =	vadd.f32 v19, v56  }
0x1bf: {  	[tilespmem:s5+$0x60] =	vst v0  }
0x1c0: {  	s21 =	simm.s32 $0x0;
	[tilespmem:s5+$0x50] =	vst v1  }
0x1c1: {  	[hbm4b:s9+s21] =	stream.linear.scatter [tilespmem:s20], [sflag:$0x5], $0x4000, $0x38;
	[tilespmem:$0x10680] =	vst v63  }
0x1c2: {  	_ =	swait.ge [sflag:s28], $0x4000  }
0x1c3: {  	[sflag:s28] =	ssyncset.done $0x0  }
0x1c4: {  	[sflag:s28] =	ssyncadd.s32 $0xFFFFC000  }
0x1c5: {  	_ =	swait.ge [sflag:s29], $0x4000  }
0x1c6: {  	[sflag:s29] =	ssyncset.done $0x0  }
0x1c7: {  	s22 =	simm.s32 $0x381;
	[sflag:s29] =	ssyncadd.s32 $0xFFFFC000  }
0x1c8: {  	v0 =	vld [tilespmem:s22+$0x0];
	_ =	sdelay $0x4  }
0x1c9: {  	(v2sf) =	vpush v0, $0x0  }
0x1ca: {  	s0 =	simm.s32 $0x0  }
0x1cb: {  	v1 =	vld [tilespmem:s0+$0x4560]  }
0x1cc: {  	v16 =	vld [tilespmem:s0+$0xC560]  }
0x1cd: {  	v17 =	vld [tilespmem:s0+$0x4550]  }
0x1ce: {  	v18 =	vld [tilespmem:s0+$0xC550]  }
0x1cf: {  	v19 =	vld [tilespmem:s0+$0x4540]  }
0x1d0: {  	v20 =	vld [tilespmem:s0+$0xC540]  }
0x1d1: {  	v21 =	vld [tilespmem:s0+$0x4530]  }
0x1d2: {  	v22 =	vld [tilespmem:s0+$0x4520]  }
0x1d3: {  	v0 =	vld [tilespmem:s22+$0xFFFFFFFF]  }
0x1d4: {  	v23 =	vld [tilespmem:s0+$0xC520]  }
0x1d5: {  	v24 =	vld [tilespmem:s0+$0x4500]  }
0x1d6: {  	v25 =	vld [tilespmem:s0+$0x4510]  }
0x1d7: {  	v26 =	vld [tilespmem:s0+$0xC510]  }
0x1d8: {  	v29 =	vld [tilespmem:s0+$0xC530];
	(v2sf) =	vpush v0, $0x0;
	s24 =	spop (v2sf)  }
0x1d9: {  	v38 =	vld [tilespmem:s0+$0xC570];
	s3 =	sshll.u32 s24, $0x9  }
0x1da: {  	v0 =	vld [tilespmem:s0+$0xC500];
	s3 =	sshra.s32 s3, $0x2  }
0x1db: {  	v27 =	vld [tilespmem:s3+$0x10480]  }
0x1dc: {  	v28 =	vld [tilespmem:s3+$0x10490]  }
0x1dd: {  	v44 =	vld [tilespmem:s0+$0xC4A0]  }
0x1de: {  	v30 =	vld [tilespmem:s3+$0x104A0]  }
0x1df: {  	v45 =	vld [tilespmem:s0+$0x44B0];
	v0 =	vadd.f32 v0, v24;
	v24 =	vadd.f32 v26, v25  }
0x1e0: {  	v22 =	vadd.f32 v23, v22;
	v37 =	vld [tilespmem:s3+$0x104B0]  }
0x1e1: {  	v46 =	vld [tilespmem:s0+$0xC4B0];
	v26 =	vadd.f32 v27, v0;
	v25 =	vadd.f32 v28, v24  }
0x1e2: {  	v21 =	vadd.f32 v29, v21;
	v23 =	vld [tilespmem:s3+$0x104C0]  }
0x1e3: {  	v48 =	vld [tilespmem:s0+$0x44E0];
	v27 =	vadd.f32 v30, v22;
	v29 =	vmul.f32 v26, v26;
	v30 =	vmul.f32 v25, v25  }
0x1e4: {  	v19 =	vadd.f32 v20, v19;
	v31 =	vld [tilespmem:s3+$0x104D0];
	v20 =	vadd.f32 v25, v26  }
0x1e5: {  	v22 =	vld [tilespmem:s0+$0x4570];
	v63 =	vadd.f32 v37, v21;
	v39 =	vmul.f32 v27, v27;
	v29 =	vadd.f32 v30, v29  }
0x1e6: {  	v17 =	vadd.f32 v18, v17;
	v21 =	vld [tilespmem:s3+$0x104E0];
	v18 =	vadd.f32 v27, v20  }
0x1e7: {  	s25 =	spop (v2sf);
	v0 =	vld [tilespmem:s0+$0x4480];
	v40 =	vmul.f32 v63, v63;
	v30 =	vadd.f32 v23, v19;
	v23 =	vadd.f32 v39, v29  }
0x1e8: {  	v1 =	vadd.f32 v16, v1;
	s4 =	sshll.u32 s25, $0x9;
	v19 =	vld [tilespmem:s3+$0x104F0];
	v16 =	vadd.f32 v63, v18  }
0x1e9: {  	s5 =	sshra.s32 s4, $0x2;
	v24 =	vld [tilespmem:s0+$0xC480];
	v29 =	vadd.f32 v31, v17;
	v41 =	vmul.f32 v30, v30;
	v23 =	vadd.f32 v40, v23  }
0x1ea: {  	v42 =	vld [tilespmem:s5+$0x10490];
	v22 =	vadd.f32 v38, v22;
	v16 =	vadd.f32 v30, v16  }
0x1eb: {  	v20 =	vld [tilespmem:s0+$0x4490];
	v28 =	vadd.f32 v21, v1;
	v43 =	vmul.f32 v29, v29;
	v21 =	vadd.f32 v41, v23  }
0x1ec: {  	v18 =	vld [tilespmem:s0+$0xC490];
	v16 =	vadd.f32 v29, v16  }
0x1ed: {  	v17 =	vld [tilespmem:s5+$0x10480];
	v23 =	vadd.f32 v19, v22;
	v22 =	vmul.f32 v28, v28;
	v21 =	vadd.f32 v43, v21  }
0x1ee: {  	v1 =	vld [tilespmem:s0+$0x44A0];
	v16 =	vadd.f32 v28, v16  }
0x1ef: {  	v47 =	vld [tilespmem:s5+$0x104B0];
	v21 =	vadd.f32 v22, v21;
	v22 =	vmul.f32 v23, v23  }
0x1f0: {  	v0 =	vadd.f32 v24, v0;
	v19 =	vld [tilespmem:s5+$0x104A0];
	v16 =	vadd.f32 v23, v16  }
0x1f1: {  	v24 =	vld [tilespmem:s0+$0x44C0];
	v18 =	vadd.f32 v18, v20;
	v21 =	vadd.f32 v22, v21  }
0x1f2: {  	v33 =	vadd.f32 v17, v0;
	v17 =	vld [tilespmem:s0+$0x44D0];
	(xrf2) =	vadd.scan.msk.f32 $0xffff, v16  }
0x1f3: {  	v1 =	vadd.f32 v44, v1;
	v32 =	vadd.f32 v42, v18;
	v16 =	vld [tilespmem:s0+$0xC4C0];
	(xrf2) =	vadd.scan.msk.f32 $0xffff, v21  }
0x1f4: {  	v20 =	vld [tilespmem:s0+$0xC4D0];
	v18 =	vmul.f32 v33, v33  }
0x1f5: {  	v49 =	vld [tilespmem:s5+$0x104E0];
	v34 =	vadd.f32 v19, v1;
	v1 =	vadd.f32 v46, v45;
	v21 =	vmul.f32 v32, v32  }
0x1f6: {  	v0 =	vld [tilespmem:s5+$0x104C0]  }
0x1f7: {  	v19 =	vld [tilespmem:s5+$0x104D0];
	v35 =	vadd.f32 v47, v1;
	v18 =	vadd.f32 v21, v18;
	v21 =	vmul.f32 v34, v34  }
0x1f8: {  	v22 =	vadd.f32 v32, v33;
	v1 =	vld [tilespmem:s0+$0xC4E0];
	v16 =	vadd.f32 v16, v24  }
0x1f9: {  	s6 =	simm.s32 $0x383;
	v17 =	vadd.f32 v20, v17;
	v20 =	vld [tilespmem:s0+$0x44F0];
	v18 =	vadd.f32 v21, v18;
	v21 =	vmul.f32 v35, v35  }
0x1fa: {  	v22 =	vadd.f32 v34, v22;
	v24 =	vld [tilespmem:s6+$0x0]  }
0x1fb: {  	v36 =	vadd.f32 v0, v16;
	v0 =	vadd.f32 v21, v18;
	v18 =	vld [tilespmem:s0+$0xC4F0]  }
0x1fc: {  	v22 =	vadd.f32 v35, v22;
	v37 =	vadd.f32 v19, v17;
	v16, _, _ =	vpop (xrf2)  }
0x1fd: {  	v19 =	vld [tilespmem:s5+$0x104F0];
	v1 =	vadd.f32 v1, v48;
	(v2sf) =	vpush v16, $0xF;
	v16, _, _ =	vpop (xrf2)  }
0x1fe: {  	(v2sf) =	vpush v16, $0xF;
	v16 =	vadd.f32 v36, v22  }
0x1ff: {  	v38 =	vadd.f32 v49, v1;
	(v2sf) =	vpush v24, $0x0  }
0x200: {  	v1 =	vadd.f32 v37, v16;
	v16 =	vadd.f32 v18, v20  }
0x201: {  	v17 =	vmul.f32 v36, v36  }
0x202: {  	v43 =	vadd.f32 v19, v16;
	v16 =	vld [tilespmem:s6+$0xFFFFFFFF];
	s6 =	simm.s32 $0x100  }
0x203: {  	v0 =	vadd.f32 v17, v0;
	v17 =	vmul.f32 v37, v37;
	v20 =	vld [tilespmem:s6+$0x4560]  }
0x204: {  	v1 =	vadd.f32 v38, v1;
	v22 =	vld [tilespmem:s6+$0xC560]  }
0x205: {  	v0 =	vadd.f32 v17, v0;
	v17 =	vmul.f32 v38, v38;
	v19 =	vld [tilespmem:s6+$0x4550]  }
0x206: {  	v21 =	vld [tilespmem:s6+$0x4540];
	v1 =	vadd.f32 v43, v1  }
0x207: {  	v0 =	vadd.f32 v17, v0;
	v18 =	vld [tilespmem:s6+$0x4530];
	v17 =	vmul.f32 v43, v43  }
0x208: {  	v24 =	vld [tilespmem:s6+$0xC520];
	(xrf2) =	vadd.scan.msk.f32 $0xffff, v1  }
0x209: {  	v50 =	vld [tilespmem:s6+$0x4500];
	v0 =	vadd.f32 v17, v0  }
0x20a: {  	v51 =	vld [tilespmem:s6+$0x4510]  }
0x20b: {  	v52 =	vld [tilespmem:s6+$0xC510];
	(xrf2) =	vadd.scan.msk.f32 $0xffff, v0  }
0x20c: {  	v58 =	vld [tilespmem:s6+$0xC530];
	s14 =	spop (v2sf)  }
0x20d: {  	v44 =	vld [tilespmem:s6+$0x4480];
	s15 =	spop (v2sf)  }
0x20e: {  	v1 =	vld [tilespmem:s6+$0xC550];
	(v2sf) =	vpush v16, $0x0;
	s16 =	spop (v2sf)  }
0x20f: {  	v17 =	vld [tilespmem:s6+$0x4520];
	s5 =	sshll.u32 s16, $0x9  }
0x210: {  	v16 =	vld [tilespmem:s6+$0xC500];
	s5 =	sshra.s32 s5, $0x2  }
0x211: {  	s3 =	smul.f32 $7.812500000e-03, s14;
	v54 =	vld [tilespmem:s5+$0x10480]  }
0x212: {  	s4 =	smul.f32 $7.812500000e-03, s15;
	v53, _, _ =	vpop (xrf2);
	v55 =	vld [tilespmem:s5+$0x10490]  }
0x213: {  	v0 =	vld [tilespmem:s6+$0xC540];
	v60 =	vadd.f32 v52, v51;
	s19 =	smul.f32 s3, s3;
	(v2sf) =	vpush v53, $0xF  }
0x214: {  	v47 =	vadd.f32 v58, v18;
	v22 =	vadd.f32 v22, v20;
	v59 =	vld [tilespmem:s5+$0x104A0]  }
0x215: {  	v24 =	vadd.f32 v24, v17;
	s4 =	ssub.f32 s4, s19;
	v16 =	vadd.f32 v16, v50;
	v62 =	vld [tilespmem:s5+$0x104B0];
	v57, _, _ =	vpop (xrf2)  }
0x216: {  	v1 =	vadd.f32 v1, v19;
	v52 =	vld [tilespmem:s5+$0x104C0];
	(v2sf) =	vpush v57, $0xF  }
0x217: {  	v40 =	vld [tilespmem:s5+$0x104D0];
	v56 =	vmov s4;
	v16 =	vadd.f32 v54, v16;
	v17 =	vadd.f32 v55, v60  }
0x218: {  	v0 =	vadd.f32 v0, v21;
	v50 =	vld [tilespmem:s6+$0x4570];
	v45 =	vadd.f32 $9.999999960e-13, v56  }
0x219: {  	v56 =	vld [tilespmem:s6+$0xC570];
	v18 =	vadd.f32 v59, v24;
	v24 =	vmul.f32 v16, v16;
	v54 =	vmul.f32 v17, v17  }
0x21a: {  	v48 =	vld [tilespmem:s6+$0xC480];
	v61 =	vbroadcast v45, $0x0;
	v21 =	vadd.f32 v62, v47;
	v55 =	vadd.f32 v17, v16  }
0x21b: {  	v19 =	vadd.f32 v52, v0;
	v62 =	vld [tilespmem:s5+$0x104F0];
	v57 =	vmul.f32 v18, v18;
	v24 =	vadd.f32 v54, v24  }
0x21c: {  	v59 =	vld [tilespmem:s5+$0x104E0];
	v20 =	vadd.f32 v40, v1;
	v53 =	vshrl.u32 v61, $0x1;
	v58 =	vadd.f32 v18, v55  }
0x21d: {  	v0 =	vld [tilespmem:s6+$0x4490];
	v41 =	vmul.f32 $5.000000000e-01, v61;
	v60 =	vmul.f32 v21, v21;
	s21 =	spop (v2sf);
	v24 =	vadd.f32 v57, v24  }
0x21e: {  	v1 =	vld [tilespmem:s6+$0xC490];
	v42 =	vsub.s32 $0x5F3759DF, v53;
	v45 =	vadd.f32 v56, v50;
	s4 =	sshll.u32 s21, $0x9;
	v47 =	vadd.f32 v21, v58  }
0x21f: {  	v52 =	vld [tilespmem:s6+$0x44A0];
	v53 =	vmul.f32 v19, v19;
	v61 =	vmul.f32 v42, v41;
	s4 =	sshra.s32 s4, $0x2;
	v24 =	vadd.f32 v60, v24  }
0x220: {  	v56 =	vmul.f32 v20, v20;
	v31 =	vadd.f32 v62, v45;
	v55 =	vadd.f32 v19, v47;
	v47 =	vld [tilespmem:s4+$0x10480]  }
0x221: {  	v54 =	vmul.f32 v42, v61;
	v22 =	vadd.f32 v59, v22;
	v57 =	vld [tilespmem:s6+$0xC4A0];
	v24 =	vadd.f32 v53, v24  }
0x222: {  	v44 =	vadd.f32 v48, v44;
	v50 =	vld [tilespmem:s4+$0x10490];
	[tilespmem:$0x1FDF0] =	vst v31;
	s22 =	spop (v2sf);
	v46 =	vadd.f32 v20, v55  }
0x223: {  	v40 =	vsub.f32 $1.500000000e+00, v54;
	v59 =	vmul.f32 v22, v22;
	v54 =	vld [tilespmem:s6+$0x44B0];
	s5 =	smul.f32 $7.812500000e-03, s22;
	v24 =	vadd.f32 v56, v24  }
0x224: {  	v0 =	vadd.f32 v1, v0;
	v62 =	vld [tilespmem:s6+$0xC4B0];
	v46 =	vadd.f32 v22, v46  }
0x225: {  	v49 =	vld [tilespmem:s4+$0x104A0];
	s25 =	spop (v2sf);
	s24 =	smul.f32 s5, s5;
	v24 =	vadd.f32 v59, v24;
	v59 =	vadd.f32 v47, v44  }
0x226: {  	v60 =	vmul.f32 v31, v31;
	v51 =	vmul.f32 v42, v40;
	v1 =	vld [tilespmem:s6+$0x44C0];
	s15 =	smul.f32 $7.812500000e-03, s25  }
0x227: {  	v61 =	vadd.f32 v31, v46;
	v46 =	vld [tilespmem:s4+$0x104B0];
	v31 =	vadd.f32 v50, v0;
	[tilespmem:$0x1FE00] =	vst v59  }
0x228: {  	v41 =	vmul.f32 v51, v41;
	s14 =	ssub.f32 s15, s24;
	v24 =	vadd.f32 v60, v24;
	v60 =	vadd.f32 v57, v52;
	v47 =	vld [tilespmem:s6+$0xC4C0]  }
0x229: {  	v45 =	vadd.f32 v62, v54;
	(xrf2) =	vadd.scan.msk.f32 $0xffff, v61;
	v61 =	vadd.f32 v31, v59;
	[tilespmem:$0x1FE30] =	vst v31  }
0x22a: {  	v40 =	vmul.f32 v31, v31;
	v58 =	vmov s14;
	(xrf2) =	vadd.scan.msk.f32 $0xffff, v24;
	v24 =	vld [tilespmem:s4+$0x104C0];
	v31 =	vadd.f32 v49, v60  }
0x22b: {  	v41 =	vmul.f32 v41, v51;
	v44 =	vmul.f32 v59, v59;
	v0 =	vadd.f32 $9.999999960e-13, v58;
	v50 =	vld [tilespmem:s6+$0x44D0]  }
0x22c: {  	v42 =	vld [tilespmem:s6+$0xC4D0];
	[tilespmem:$0x1FE40] =	vst v31;
	v52 =	vadd.f32 v31, v61;
	v58 =	vmul.f32 v31, v31;
	v31 =	vadd.f32 v46, v45  }
0x22d: {  	v56 =	vmov s3;
	v49 =	vld [tilespmem:s4+$0x104D0];
	v1 =	vadd.f32 v47, v1  }
0x22e: {  	v48 =	vsub.f32 $1.500000000e+00, v41;
	v53 =	vadd.f32 v40, v44;
	v0 =	vbroadcast v0, $0x0;
	v39 =	vld [tilespmem:s6+$0x44E0];
	[tilespmem:$0x1FE60] =	vst v31  }
0x22f: {  	v52 =	vadd.f32 v31, v52;
	v41 =	vmul.f32 v31, v31;
	v40 =	vld [tilespmem:s6+$0xC4E0];
	v31 =	vadd.f32 v24, v1  }
0x230: {  	v23 =	vsub.f32 v23, v56;
	v53 =	vadd.f32 v58, v53;
	v59 =	vld [tilespmem:s4+$0x104E0]  }
0x231: {  	v26 =	vsub.f32 v26, v56;
	v62 =	vshrl.u32 v0, $0x1;
	v0 =	vmul.f32 $5.000000000e-01, v0;
	v60 =	vld [tilespmem:s6+$0x44F0];
	[tilespmem:$0x1FE70] =	vst v31  }
0x232: {  	v1 =	vadd.f32 v42, v50;
	v46 =	vadd.f32 v41, v53;
	v41 =	vmov s5;
	v42 =	vld [tilespmem:s6+$0xC4F0]  }
0x233: {  	v54 =	vsub.s32 $0x5F3759DF, v62;
	v33 =	vsub.f32 v33, v41;
	v32 =	vsub.f32 v32, v41  }
0x234: {  	v61 =	vmul.f32 v54, v0;
	v34 =	vsub.f32 v34, v41;
	v35 =	vsub.f32 v35, v41  }
0x235: {  	v47 =	vmul.f32 v48, v51;
	v36 =	vsub.f32 v36, v41;
	v24, _, _ =	vpop (xrf2);
	v52 =	vadd.f32 v31, v52  }
0x236: {  	v61 =	vmul.f32 v54, v61;
	v58 =	vadd.f32 v49, v1;
	(v2sf) =	vpush v24, $0xF;
	v62 =	vld [tilespmem:s4+$0x104F0];
	s4 =	simm.s32 $0x385;
	v24, _, _ =	vpop (xrf2)  }
0x237: {  	v1 =	vmul.f32 v31, v31;
	(v2sf) =	vpush v24, $0xF;
	v50 =	vadd.f32 v42, v60;
	v42 =	vld [tilespmem:s4+$0x0]  }
0x238: {  	v39 =	vadd.f32 v40, v39;
	v40 =	vsub.f32 $1.500000000e+00, v61  }
0x239: {  	v1 =	vadd.f32 v1, v46;
	v45 =	vmul.f32 v58, v58;
	v24 =	vmul.f32 v47, v23  }
0x23a: {  	v52 =	vadd.f32 v58, v52;
	v23 =	vadd.f32 v59, v39  }
0x23b: {  	v49 =	vmul.f32 v54, v40;
	v1 =	vadd.f32 v45, v1;
	v44 =	vmul.f32 v24, v15  }
0x23c: {  	v46 =	vmul.f32 v23, v23;
	v24 =	vadd.f32 v62, v50;
	(v2sf) =	vpush v42, $0x0  }
0x23d: {  	v37 =	vsub.f32 v37, v41;
	v52 =	vadd.f32 v23, v52;
	v0 =	vmul.f32 v49, v0  }
0x23e: {  	s3 =	simm.s32 $0x200;
	v38 =	vsub.f32 v38, v41;
	v1 =	vadd.f32 v46, v1;
	v54 =	vmul.f32 v24, v24  }
0x23f: {  	v43 =	vsub.f32 v43, v41;
	v41 =	vld [tilespmem:s3+$0x4560];
	v0 =	vmul.f32 v0, v49;
	v52 =	vadd.f32 v24, v52  }
0x240: {  	v25 =	vsub.f32 v25, v56;
	v51 =	vld [tilespmem:s3+$0xC550];
	v1 =	vadd.f32 v54, v1  }
0x241: {  	v27 =	vsub.f32 v27, v56;
	v55 =	vld [tilespmem:s4+$0xFFFFFFFF];
	v0 =	vsub.f32 $1.500000000e+00, v0;
	(xrf2) =	vadd.scan.msk.f32 $0xffff, v52  }
0x242: {  	v26 =	vmul.f32 v47, v26;
	v25 =	vmul.f32 v47, v25;
	v40 =	vld [tilespmem:s3+$0x4540];
	(xrf2) =	vadd.scan.msk.f32 $0xffff, v1;
	v1 =	vsub.f32 v29, v56  }
0x243: {  	v27 =	vmul.f32 v47, v27;
	v62 =	vld [tilespmem:s3+$0xC560];
	v0 =	vmul.f32 v0, v49  }
0x244: {  	v26 =	vmul.f32 v26, v13;
	v42 =	vsub.f32 v63, v56;
	v63 =	vld [tilespmem:s3+$0x4550];
	[tilespmem:$0x1FE10] =	vst v1;
	v1 =	vsub.f32 v28, v56  }
0x245: {  	v54 =	vld [tilespmem:$0x1FF70];
	v33 =	vmul.f32 v0, v33;
	v32 =	vmul.f32 v0, v32;
	s5 =	spop (v2sf)  }
0x246: {  	v49 =	vsub.f32 v30, v56;
	v34 =	vmul.f32 v0, v34;
	v30 =	vmul.f32 v0, v35;
	s4 =	smul.f32 $7.812500000e-03, s5;
	v39 =	vld [tilespmem:s3+$0xC540];
	s14 =	spop (v2sf);
	[tilespmem:$0x1FE20] =	vst v1  }
0x247: {  	v57 =	vmul.f32 v0, v36;
	v60 =	vmul.f32 v0, v38;
	s5 =	smul.f32 $7.812500000e-03, s14;
	v38 =	vld [tilespmem:s3+$0x4530]  }
0x248: {  	v59 =	vmul.f32 v0, v37;
	v0 =	vmul.f32 v0, v43;
	s15 =	smul.f32 s4, s4;
	v43 =	vld [tilespmem:s3+$0x4520]  }
0x249: {  	v25 =	vmul.f32 v25, v11;
	v33 =	vmul.f32 v33, v13;
	v31 =	vld [tilespmem:s3+$0xC520]  }
0x24a: {  	(v2sf) =	vpush v55, $0x0;
	v32 =	vmul.f32 v32, v11;
	v37 =	vmul.f32 v60, v2;
	v29 =	vld [tilespmem:s3+$0x4500];
	s5 =	ssub.f32 s5, s15  }
0x24b: {  	v36 =	vmul.f32 v59, v3;
	v35 =	vmul.f32 v57, v54;
	v56 =	vadd.f32 v33, v12;
	v28 =	vld [tilespmem:s3+$0xC500];
	s16 =	spop (v2sf)  }
0x24c: {  	v59 =	vadd.f32 v32, v10;
	v53 =	vadd.f32 v37, v4;
	v1 =	vld [tilespmem:s3+$0x4510];
	v61, _, _ =	vpop (xrf2);
	v46 =	vmov s5;
	s5 =	sshll.u32 s16, $0x9  }
0x24d: {  	v0 =	vmul.f32 v0, v15;
	v32 =	vld [tilespmem:s3+$0xC510];
	(v2sf) =	vpush v61, $0xF;
	v52 =	vadd.f32 $9.999999960e-13, v46;
	v50, _, _ =	vpop (xrf2);
	s5 =	sshra.s32 s5, $0x2  }
0x24e: {  	v27 =	vmul.f32 v27, v9;
	(v2sf) =	vpush v50, $0xF;
	v50 =	vadd.f32 v35, v5;
	v33 =	vld [tilespmem:s5+$0x10480]  }
0x24f: {  	v52 =	vbroadcast v52, $0x0;
	v35 =	vld [tilespmem:s5+$0x10490];
	[tilespmem:$0x1FDE0] =	vst v4;
	v4 =	vadd.f32 v0, v14;
	v0 =	vadd.f32 v26, v12  }
0x250: {  	v34 =	vmul.f32 v34, v9;
	v45 =	vmul.f32 v30, v6  }
0x251: {  	v55 =	vshrl.u32 v52, $0x1;
	v30 =	vmul.f32 $5.000000000e-01, v52;
	v52 =	vld [tilespmem:s3+$0xC530];
	[tilespmem:$0x1FE50] =	vst v0;
	v0 =	vadd.f32 v25, v10  }
0x252: {  	v60 =	vadd.f32 v34, v8  }
0x253: {  	v1 =	vadd.f32 v32, v1;
	v34 =	vsub.s32 $0x5F3759DF, v55;
	v26 =	vld [tilespmem:s5+$0x104A0];
	[tilespmem:$0x1FE80] =	vst v0;
	v0 =	vadd.f32 v27, v8  }
0x254: {  	v57 =	vld [tilespmem:$0x1FF60];
	v46 =	vmul.f32 v34, v30  }
0x255: {  	v32 =	vadd.f32 v35, v1;
	v1 =	vld [tilespmem:$0x1FDF0];
	[tilespmem:$0x1FE90] =	vst v0  }
0x256: {  	v28 =	vadd.f32 v28, v29;
	v25 =	vmul.f32 v34, v46;
	v27 =	vld [tilespmem:s5+$0x104D0]  }
0x257: {  	v48 =	vadd.f32 v44, v14;
	v31 =	vadd.f32 v31, v43;
	v29 =	vld [tilespmem:s5+$0x104B0]  }
0x258: {  	v25 =	vsub.f32 $1.500000000e+00, v25;
	v33 =	vadd.f32 v33, v28;
	v43 =	vld [tilespmem:s5+$0x104C0]  }
0x259: {  	s19 =	spop (v2sf);
	v28 =	vadd.f32 v62, v41;
	v62 =	vadd.f32 v39, v40;
	v0 =	vld [tilespmem:s3+$0x4480]  }
0x25a: {  	s14 =	sshll.u32 s19, $0x9;
	v55 =	vadd.f32 v52, v38;
	v44 =	vld [tilespmem:s3+$0xC480];
	v25 =	vmul.f32 v34, v25;
	v46 =	vmul.f32 v33, v33  }
0x25b: {  	s21 =	sshra.s32 s14, $0x2;
	v52 =	vmul.f32 v32, v32;
	v40 =	vld [tilespmem:s3+$0xC570];
	v34 =	vadd.f32 v26, v31;
	v26 =	vadd.f32 v32, v33  }
0x25c: {  	v57 =	vadd.f32 v36, v57;
	v61 =	vadd.f32 v45, v7;
	v41 =	vld [tilespmem:s21+$0x10480];
	v30 =	vmul.f32 v25, v30  }
0x25d: {  	v31 =	vld [tilespmem:s3+$0x4570];
	v38 =	vadd.f32 v52, v46;
	v26 =	vadd.f32 v34, v26  }
0x25e: {  	v30 =	vmul.f32 v30, v25;
	v36 =	vadd.f32 v29, v55;
	v29 =	vld [tilespmem:s5+$0x104E0];
	v55 =	vadd.f32 v51, v63  }
0x25f: {  	s22 =	spop (v2sf);
	v45 =	vmul.f32 v34, v34;
	v51 =	vld [tilespmem:s3+$0x4490];
	v37 =	vadd.f32 v43, v62;
	v44 =	vadd.f32 v44, v0  }
0x260: {  	s14 =	smul.f32 $7.812500000e-03, s22;
	v62 =	vld [tilespmem:s5+$0x104F0];
	v43 =	vmov s4;
	v52 =	vsub.f32 $1.500000000e+00, v30;
	v26 =	vadd.f32 v36, v26  }
0x261: {  	v63 =	vld [tilespmem:s3+$0xC490];
	v35 =	vadd.f32 v27, v55;
	v27 =	vadd.f32 v45, v38;
	v46 =	vmul.f32 v36, v36  }
0x262: {  	s24 =	smul.f32 s14, s14;
	s16 =	spop (v2sf);
	v30 =	vadd.f32 v40, v31;
	v40 =	vld [tilespmem:s3+$0x44A0];
	v39 =	vmul.f32 v52, v25;
	v25 =	vadd.f32 v41, v44  }
0x263: {  	s25 =	smul.f32 $7.812500000e-03, s16;
	v31 =	vmul.f32 v37, v37;
	v45 =	vld [tilespmem:s21+$0x10490];
	v26 =	vadd.f32 v37, v26;
	v27 =	vadd.f32 v46, v27  }
0x264: {  	v55 =	vmul.f32 v47, v42;
	v38 =	vadd.f32 v29, v28;
	v29 =	vsub.f32 v1, v43;
	v1 =	vld [tilespmem:s3+$0xC4A0]  }
0x265: {  	s4 =	ssub.f32 s25, s24;
	v41 =	vld [tilespmem:s3+$0xC4C0];
	v30 =	vadd.f32 v62, v30;
	v27 =	vadd.f32 v31, v27;
	v31 =	vmul.f32 v35, v35  }
0x266: {  	v28 =	vmul.f32 v55, v6;
	v62 =	vld [tilespmem:s21+$0x104A0];
	v55 =	vadd.f32 v63, v51;
	v26 =	vadd.f32 v35, v26  }
0x267: {  	v44 =	vld [tilespmem:s21+$0x104B0];
	v0 =	vmov s4;
	v27 =	vadd.f32 v31, v27;
	v31 =	vmul.f32 v38, v38  }
0x268: {  	v46 =	vld [tilespmem:s3+$0x44B0];
	v0 =	vadd.f32 $9.999999960e-13, v0;
	v29 =	vmul.f32 v39, v29;
	v26 =	vadd.f32 v38, v26  }
0x269: {  	v63 =	vld [tilespmem:s3+$0xC4B0];
	v42 =	vmul.f32 v30, v30;
	v27 =	vadd.f32 v31, v27;
	v1 =	vadd.f32 v1, v40  }
0x26a: {  	v51 =	vadd.f32 v30, v26;
	v31 =	vld [tilespmem:s3+$0x44C0];
	v26 =	vadd.f32 v45, v55  }
0x26b: {  	v45 =	vmul.f32 v29, v15;
	v29 =	vadd.f32 v42, v27;
	v27 =	vadd.f32 v62, v1;
	v1 =	vld [tilespmem:s3+$0x44D0]  }
0x26c: {  	[tilespmem:s0+$0x4570] =	vst v48;
	v0 =	vbroadcast v0, $0x0;
	v62 =	vld [tilespmem:s3+$0xC4D0]  }
0x26d: {  	v40 =	vmul.f32 v25, v25;
	v55 =	vadd.f32 v28, v7;
	(xrf2) =	vadd.scan.msk.f32 $0xffff, v51;
	v28 =	vmul.f32 v26, v26;
	v51 =	vld [tilespmem:s21+$0x104C0]  }
0x26e: {  	[tilespmem:s0+$0x4480] =	vst v56;
	v52 =	vmul.f32 $5.000000000e-01, v0;
	v42 =	vadd.f32 v63, v46  }
0x26f: {  	[tilespmem:s0+$0x4490] =	vst v59;
	v46 =	vshrl.u32 v0, $0x1;
	v40 =	vadd.f32 v28, v40;
	v63 =	vmul.f32 v27, v27  }
0x270: {  	[tilespmem:s0+$0x44A0] =	vst v60;
	v28 =	vadd.f32 v44, v42;
	v42 =	vsub.s32 $0x5F3759DF, v46;
	v31 =	vadd.f32 v41, v31  }
0x271: {  	v46 =	vmul.f32 v42, v52;
	v1 =	vadd.f32 v62, v1;
	v62 =	vld [tilespmem:$0x1FE00];
	[tilespmem:s0+$0x44B0] =	vst v61  }
0x272: {  	(xrf2) =	vadd.scan.msk.f32 $0xffff, v29;
	v40 =	vadd.f32 v63, v40;
	v29 =	vadd.f32 v51, v31;
	v31 =	vmul.f32 v28, v28;
	v56 =	vld [tilespmem:$0x1FE10];
	_ =	sdelay $0x1  }
0x273: {  	v46 =	vmul.f32 v42, v46;
	v61 =	vadd.f32 v31, v40;
	v31 =	vld [tilespmem:$0x1FE20];
	[tilespmem:s0+$0x44C0] =	vst v50  }
0x274: {  	[tilespmem:s0+$0x44D0] =	vst v57  }
0x275: {  	v59 =	vmul.f32 v47, v49;
	v63 =	vsub.f32 $1.500000000e+00, v46;
	[tilespmem:s0+$0x44E0] =	vst v53  }
0x276: {  	v57 =	vld [tilespmem:$0x1FE30];
	v60 =	vmul.f32 v47, v56;
	v56, _, _ =	vpop (xrf2)  }
0x277: {  	(v2sf) =	vpush v56, $0xF;
	v56 =	vmul.f32 v42, v63;
	v42 =	vmul.f32 v59, v54;
	v59 =	vld [tilespmem:$0x1FE40];
	[tilespmem:s0+$0x44F0] =	vst v4  }
0x278: {  	v4 =	vmov v3;
	v40 =	vmul.f32 v60, v3;
	v3 =	vld [tilespmem:$0x1FE50]  }
0x279: {  	v41 =	vld [tilespmem:s21+$0x104D0];
	_ =	sdelay $0x2  }
0x27a: {  	v46 =	vmul.f32 v47, v31  }
0x27b: {  	[tilespmem:s0+$0x4500] =	vst v3  }
0x27c: {  	v31 =	vadd.f32 v41, v1;
	v41 =	vmul.f32 v46, v2;
	v3 =	vmov v2;
	v2 =	vld [tilespmem:$0x1FE60];
	_ =	sdelay $0x3  }
0x27d: {  	v48 =	vmov s14  }
0x27e: {  	v53 =	vsub.f32 v2, v48;
	v2 =	vld [tilespmem:$0x1FE70]  }
0x27f: {  	v44 =	vld [tilespmem:s3+$0x44E0]  }
0x280: {  	v51 =	vld [tilespmem:s3+$0xC4E0];
	_ =	sdelay $0x2  }
0x281: {  	v0 =	vadd.f32 v26, v25;
	v54 =	vsub.f32 v2, v48;
	v2 =	vld [tilespmem:$0x1FE80]  }
0x282: {  	v49 =	vsub.f32 v62, v48;
	v62 =	vld [tilespmem:s21+$0x104E0]  }
0x283: {  	v0 =	vadd.f32 v27, v0;
	v44 =	vadd.f32 v51, v44;
	v51 =	vld [tilespmem:s3+$0xC4F0]  }
0x284: {  	v1 =	vld [tilespmem:s3+$0x44F0]  }
0x285: {  	v0 =	vadd.f32 v28, v0  }
0x286: {  	v63 =	vmul.f32 v29, v29;
	v50 =	vsub.f32 v59, v48;
	v59 =	vld [tilespmem:s21+$0x104F0];
	[tilespmem:s0+$0x4510] =	vst v2  }
0x287: {  	v45 =	vadd.f32 v45, v14;
	v0 =	vadd.f32 v29, v0;
	v2 =	vld [tilespmem:$0x1FE90]  }
0x288: {  	v47 =	vsub.f32 v57, v48;
	v57 =	vadd.f32 v63, v61;
	v60 =	vmul.f32 v31, v31  }
0x289: {  	v44 =	vadd.f32 v62, v44;
	v1 =	vadd.f32 v51, v1  }
0x28a: {  	v0 =	vadd.f32 v31, v0;
	v63 =	vmul.f32 v56, v52;
	v46, _, _ =	vpop (xrf2);
	v52 =	vadd.f32 v60, v57;
	[tilespmem:s0+$0x4530] =	vst v55  }
0x28b: {  	(v2sf) =	vpush v46, $0xF;
	v57 =	vmul.f32 v44, v44;
	v46 =	vadd.f32 v59, v1;
	[tilespmem:s6+$0x4570] =	vst v45  }
0x28c: {  	s5 =	simm.s32 $0x800;
	s14 =	simm.s32 $0x387;
	s4 =	simm.s32 $0x84;
	v51 =	vmul.f32 v63, v56;
	v55 =	vadd.f32 v44, v0;
	v45 =	vsub.f32 v58, v48;
	[tilespmem:s0+$0x4520] =	vst v2  }
.LBB2_6:
0x28d: {  	v0 =	vld [tilespmem:s14+$0x0]  }
0x28e: {  	v60 =	vld [tilespmem:s14+$0xFFFFFFFF];
	_ =	sdelay $0x1  }
0x28f: {  	v58 =	vsub.f32 v23, v48  }
0x290: {  	v63 =	vsub.f32 v24, v48;
	v59 =	vsub.f32 v18, v43  }
0x291: {  	v18 =	vmov v34;
	v34 =	vsub.f32 v19, v43;
	(v2sf) =	vpush v0, $0x0  }
0x292: {  	v51 =	vsub.f32 $1.500000000e+00, v51;
	(v2sf) =	vpush v60, $0x0;
	v60 =	vld [tilespmem:$0x1FF60]  }
0x293: {  	v55 =	vadd.f32 v46, v55;
	v61 =	vmul.f32 v46, v46;
	v24 =	vmovc v46;
	v46 =	vmul.f32 v39, v59;
	v59 =	vld [tilespmem:$0x1FDE0]  }
0x294: {  	v42 =	vadd.f32 v42, v5;
	v1 =	vadd.f32 v57, v52  }
0x295: {  	s5 =	sadd.s32 $0x400, s5;
	v57 =	vsub.f32 v17, v43;
	v17 =	vmovc v32;
	v52 =	vsub.f32 v20, v43;
	v62 =	vmul.f32 v51, v56  }
0x296: {  	s15 =	sshra.s32 s5, $0x2;
	v34 =	vmul.f32 v39, v34;
	v56 =	vsub.f32 v16, v43;
	v16 =	vmovc v33;
	v1 =	vadd.f32 v61, v1  }
0x297: {  	v48 =	vld [tilespmem:s15+$0x4560];
	(xrf2) =	vadd.scan.msk.f32 $0xffff, v55;
	v33 =	vmul.f32 v39, v57;
	v32 =	vmul.f32 v62, v49;
	v40 =	vadd.f32 v40, v60  }
0x298: {  	[tilespmem:s0+$0x4540] =	vst v42;
	v61 =	vld [tilespmem:$0x1FF70];
	v49 =	vsub.f32 v21, v43;
	v0 =	vmul.f32 v62, v47;
	v41 =	vadd.f32 v41, v59  }
0x299: {  	v20 =	vmovc v35;
	(xrf2) =	vadd.scan.msk.f32 $0xffff, v1;
	v1 =	vmul.f32 v62, v50;
	v35 =	vmul.f32 v62, v53;
	v50 =	vld [tilespmem:s15+$0xC560];
	[tilespmem:s0+$0x4550] =	vst v40  }
0x29a: {  	v19 =	vmov v37;
	v37 =	vmul.f32 v62, v54;
	v42 =	vmul.f32 v39, v49;
	v49 =	vld [tilespmem:s15+$0x4550];
	[tilespmem:s0+$0x4560] =	vst v41  }
0x29b: {  	v55 =	vsub.f32 v22, v43;
	v22 =	vmovc v38;
	v38 =	vmul.f32 v62, v45;
	v45 =	vmul.f32 v62, v58;
	s0 =	smov.u32 s6;
	s6 =	smov.u32 s3;
	s3 =	smov.u32 s15;
	v43 =	vld [tilespmem:s15+$0xC550]  }
0x29c: {  	v23 =	vmov v44;
	v44 =	vmul.f32 v62, v63;
	v47 =	vmul.f32 v39, v56;
	s16 =	spop (v2sf);
	v51 =	vld [tilespmem:s3+$0x4540]  }
0x29d: {  	v21 =	vmov v36;
	v36 =	vmul.f32 v39, v52;
	v0 =	vmul.f32 v0, v11;
	s16 =	smul.f32 $7.812500000e-03, s16;
	s19 =	spop (v2sf);
	v52 =	vld [tilespmem:s3+$0xC540]  }
0x29e: {  	v33 =	vmul.f32 v33, v11;
	v1 =	vmul.f32 v1, v9;
	s19 =	smul.f32 $7.812500000e-03, s19;
	v53 =	vld [tilespmem:s3+$0x4530]  }
0x29f: {  	v39 =	vmul.f32 v39, v55;
	v35 =	vmul.f32 v35, v6;
	v0 =	vadd.f32 v0, v10;
	v54 =	vld [tilespmem:s3+$0x4520];
	s21 =	smul.f32 s16, s16  }
0x2a0: {  	v32 =	vmul.f32 v32, v13;
	v62 =	vmul.f32 v47, v13;
	v1 =	vadd.f32 v1, v8;
	v47 =	vld [tilespmem:s3+$0xC520]  }
0x2a1: {  	v38 =	vmul.f32 v38, v4;
	v37 =	vmul.f32 v37, v61;
	v56, _, _ =	vpop (xrf2);
	v55 =	vld [tilespmem:s3+$0x4500];
	[tilespmem:s0+$0x4490] =	vst v0;
	v0 =	vadd.f32 v35, v7;
	s25 =	ssub.f32 s19, s21  }
0x2a2: {  	(v2sf) =	vpush v56, $0xF;
	v56 =	vmul.f32 v42, v6;
	v42 =	vmul.f32 v34, v61;
	v34 =	vld [tilespmem:s3+$0x4510];
	[tilespmem:s0+$0x44A0] =	vst v1  }
0x2a3: {  	v45 =	vmul.f32 v45, v3;
	v1 =	vld [tilespmem:s3+$0xC510];
	[tilespmem:s0+$0x44B0] =	vst v0;
	v0 =	vadd.f32 v37, v5;
	v57 =	vmov s25;
	s19 =	spop (v2sf)  }
0x2a4: {  	v44 =	vmul.f32 v44, v15;
	v37 =	vadd.f32 v38, v60;
	v60 =	vld [tilespmem:s3+$0xC530];
	v40 =	vadd.f32 $9.999999960e-13, v57;
	s15 =	sshll.u32 s19, $0x9  }
0x2a5: {  	v32 =	vadd.f32 v32, v12;
	v45 =	vadd.f32 v45, v59;
	v57 =	vld [tilespmem:s3+$0xC500];
	s19 =	sshra.s32 s15, $0x2  }
0x2a6: {  	v44 =	vadd.f32 v44, v14;
	v59 =	vadd.f32 v33, v10;
	v58, _, _ =	vpop (xrf2);
	v63 =	vbroadcast v40, $0x0;
	v38 =	vld [tilespmem:s19+$0x10480]  }
0x2a7: {  	v46 =	vmul.f32 v46, v9;
	(v2sf) =	vpush v58, $0xF;
	[tilespmem:s0+$0x44C0] =	vst v0;
	v0 =	vadd.f32 v62, v12;
	v62 =	vld [tilespmem:s19+$0x104A0]  }
0x2a8: {  	[tilespmem:s0+$0x4480] =	vst v32;
	v40 =	vmul.f32 v36, v4;
	v58 =	vshrl.u32 v63, $0x1;
	v36 =	vmul.f32 $5.000000000e-01, v63;
	v63 =	vld [tilespmem:s19+$0x104D0]  }
0x2a9: {  	v50 =	vadd.f32 v50, v48;
	v41 =	vmul.f32 v39, v3;
	[tilespmem:s0+$0x44D0] =	vst v37;
	v35 =	vsub.s32 $0x5F3759DF, v58;
	v58 =	vld [tilespmem:s19+$0x10490]  }
0x2aa: {  	v37 =	vadd.f32 v46, v8;
	v61 =	vadd.f32 v57, v55;
	v55 =	vld [tilespmem:s19+$0x104B0];
	[tilespmem:s0+$0x4500] =	vst v0;
	v39 =	vmul.f32 v35, v36  }
0x2ab: {  	[tilespmem:s0+$0x44E0] =	vst v45;
	v1 =	vadd.f32 v1, v34;
	v54 =	vadd.f32 v47, v54;
	v0 =	vld [tilespmem:s19+$0x104C0]  }
0x2ac: {  	[tilespmem:s0+$0x44F0] =	vst v44;
	v43 =	vadd.f32 v43, v49;
	v57 =	vadd.f32 v52, v51;
	v32 =	vmul.f32 v35, v39  }
0x2ad: {  	v49 =	vld [tilespmem:s3+$0x4480];
	[tilespmem:s0+$0x4510] =	vst v59;
	v33 =	vadd.f32 v38, v61;
	v39 =	vadd.f32 v56, v7  }
0x2ae: {  	v51 =	vld [tilespmem:s3+$0xC480];
	[tilespmem:s0+$0x4520] =	vst v37;
	v48 =	vsub.f32 $1.500000000e+00, v32;
	v32 =	vadd.f32 v58, v1  }
0x2af: {  	v47 =	vld [tilespmem:s3+$0x4490];
	v34 =	vadd.f32 v62, v54;
	v56 =	vadd.f32 v60, v53;
	[tilespmem:s0+$0x4530] =	vst v39  }
0x2b0: {  	s21 =	spop (v2sf);
	v37 =	vadd.f32 v0, v57;
	v0 =	vld [tilespmem:s19+$0x104E0];
	v1 =	vmul.f32 v35, v48;
	v58 =	vadd.f32 v32, v33  }
0x2b1: {  	s24 =	spop (v2sf);
	v61 =	vmul.f32 v33, v33;
	v60 =	vld [tilespmem:s3+$0x4570];
	v35 =	vadd.f32 v63, v43;
	v62 =	vmul.f32 v32, v32  }
0x2b2: {  	s22 =	sshll.u32 s21, $0x9;
	s21 =	smul.f32 $7.812500000e-03, s24;
	v63 =	vld [tilespmem:s3+$0xC570];
	v59 =	vmul.f32 v1, v36;
	v36 =	vadd.f32 v55, v56;
	v46 =	vadd.f32 v34, v58  }
0x2b3: {  	v39 =	vadd.f32 v62, v61;
	v62 =	vadd.f32 v51, v49;
	v51 =	vld [tilespmem:s3+$0x44C0]  }
0x2b4: {  	v48 =	vmov s21;
	v44 =	vmul.f32 v59, v1;
	v59 =	vld [tilespmem:s3+$0xC490]  }
0x2b5: {  	v56 =	vmul.f32 v34, v34;
	v46 =	vadd.f32 v36, v46;
	v38 =	vadd.f32 v0, v50;
	v50 =	vld [tilespmem:s3+$0xC4C0]  }
0x2b6: {  	v43 =	vmov s16;
	v49 =	vsub.f32 v25, v48;
	v44 =	vsub.f32 $1.500000000e+00, v44  }
0x2b7: {  	s15 =	sshra.s32 s22, $0x2;
	v52 =	vld [tilespmem:s19+$0x104F0];
	v57 =	vadd.f32 v56, v39;
	v58 =	vmul.f32 v36, v36;
	v46 =	vadd.f32 v37, v46  }
0x2b8: {  	v54 =	vld [tilespmem:s15+$0x10490];
	v39 =	vmul.f32 v44, v1;
	v1 =	vsub.f32 v30, v43;
	v30 =	vadd.f32 v63, v60  }
0x2b9: {  	s24 =	spop (v2sf);
	s22 =	smul.f32 s21, s21;
	v61 =	vmul.f32 v37, v37;
	v44 =	vld [tilespmem:s15+$0x10480];
	v60 =	vadd.f32 v58, v57;
	v0 =	vadd.f32 v35, v46  }
0x2ba: {  	s24 =	smul.f32 $7.812500000e-03, s24;
	v63 =	vld [tilespmem:s3+$0x44A0];
	v47 =	vadd.f32 v59, v47;
	v51 =	vadd.f32 v50, v51;
	v1 =	vmul.f32 v39, v1  }
0x2bb: {  	v57 =	vmul.f32 v35, v35;
	v58 =	vld [tilespmem:s3+$0xC4A0];
	v50 =	vsub.f32 v27, v48;
	v45 =	vadd.f32 v61, v60  }
0x2bc: {  	v53 =	vld [tilespmem:s3+$0x44B0];
	s25 =	ssub.f32 s24, s22;
	v30 =	vadd.f32 v52, v30;
	v0 =	vadd.f32 v38, v0;
	v1 =	vmul.f32 v1, v15  }
0x2bd: {  	v59 =	vmul.f32 v38, v38;
	v52 =	vld [tilespmem:s15+$0x104A0];
	v54 =	vadd.f32 v54, v47;
	v45 =	vadd.f32 v57, v45  }
0x2be: {  	v46 =	vld [tilespmem:s3+$0xC4B0];
	v60 =	vmov s25;
	v0 =	vadd.f32 v30, v0;
	v1 =	vadd.f32 v1, v14  }
0x2bf: {  	v61 =	vmul.f32 v30, v30;
	v44 =	vadd.f32 v44, v62;
	v45 =	vadd.f32 v59, v45  }
0x2c0: {  	v47 =	vld [tilespmem:s15+$0x104B0];
	(xrf2) =	vadd.scan.msk.f32 $0xffff, v0;
	v0 =	vadd.f32 $9.999999960e-13, v60;
	[tilespmem:s6+$0x4570] =	vst v1;
	v1 =	vadd.f32 v58, v63  }
0x2c1: {  	v55 =	vld [tilespmem:s3+$0xC4D0];
	v60 =	vmul.f32 v54, v54;
	v62 =	vmul.f32 v44, v44;
	v45 =	vadd.f32 v61, v45  }
0x2c2: {  	v63 =	vadd.f32 v54, v44;
	v0 =	vbroadcast v0, $0x0;
	v1 =	vadd.f32 v52, v1;
	v52 =	vld [tilespmem:s15+$0x104C0]  }
0x2c3: {  	v61 =	vadd.f32 v46, v53;
	v46 =	vadd.f32 v60, v62;
	(xrf2) =	vadd.scan.msk.f32 $0xffff, v45;
	v45 =	vld [tilespmem:s3+$0x44D0]  }
0x2c4: {  	v58 =	vld [tilespmem:s15+$0x104D0];
	v62 =	vshrl.u32 v0, $0x1;
	v0 =	vmul.f32 $5.000000000e-01, v0;
	v57 =	vmul.f32 v1, v1  }
0x2c5: {  	v25 =	vmovc v44;
	v60 =	vld [tilespmem:s3+$0x44E0];
	v44 =	vadd.f32 v47, v61;
	v59 =	vsub.s32 $0x5F3759DF, v62;
	v56 =	vadd.f32 v1, v63  }
0x2c6: {  	v47 =	vsub.f32 v26, v48;
	v26 =	vmovc v54;
	v61 =	vld [tilespmem:s3+$0xC4F0];
	v53 =	vmul.f32 v59, v0;
	v46 =	vadd.f32 v57, v46  }
0x2c7: {  	v63 =	vmul.f32 v44, v44;
	v27 =	vmovc v1;
	v57 =	vld [tilespmem:s3+$0xC4E0];
	v54 =	vadd.f32 v44, v56;
	v1 =	vadd.f32 v52, v51  }
0x2c8: {  	v52 =	vmul.f32 v59, v53;
	v53 =	vsub.f32 v28, v48;
	v28 =	vmovc v44;
	v44 =	vadd.f32 v55, v45;
	v45 =	vld [tilespmem:s3+$0x44F0]  }
0x2c9: {  	v51 =	vld [tilespmem:s15+$0x104E0];
	v46 =	vadd.f32 v63, v46  }
0x2ca: {  	v62 =	vadd.f32 v1, v54;
	v52 =	vsub.f32 $1.500000000e+00, v52  }
0x2cb: {  	s4 =	sadd.s32 $0x2, s4;
	v2 =	vld [tilespmem:s15+$0x104F0];
	v55, _, _ =	vpop (xrf2);
	v63 =	vmul.f32 v1, v1;
	v58 =	vadd.f32 v58, v44;
	v54 =	vsub.f32 v29, v48  }
0x2cc: {  	p0 =	slt.u32 s4, $0xFE;
	v29 =	vmovc v1;
	(v2sf) =	vpush v55, $0xF;
	v1 =	vadd.f32 v57, v60;
	v56 =	vmul.f32 v59, v52  }
.Ltmp2:
0x2cd: {  	v46 =	vadd.f32 v63, v46;
	v63 =	vmul.f32 v58, v58;
	v60, _, _ =	vpop (xrf2);
	v45 =	vadd.f32 v61, v45;
	(pc) =	sbr.rel @p0 .LBB2_6-.Ltmp2, $4  }
0x2ce: {  	(v2sf) =	vpush v60, $0xF;
	v44 =	vadd.f32 v51, v1  }
0x2cf: {  	v1 =	vadd.f32 v58, v62;
	v0 =	vmul.f32 v56, v0;
	v52 =	vadd.f32 v63, v46  }
0x2d0: {  	v46 =	vadd.f32 v2, v45;
	v45 =	vsub.f32 v31, v48  }
0x2d1: {  	s14 =	sadd.s32 $0x2, s14;
	v31 =	vmovc v58;
	v55 =	vadd.f32 v44, v1;
	v57 =	vmul.f32 v44, v44;
	v51 =	vmul.f32 v0, v56  }
0x2d2: {  	_ = 	snop  }
0x2d3: {  	v0 =	vadd.f32 v46, v55  }
0x2d4: {  	v2 =	vmul.f32 v46, v46;
	v1 =	vadd.f32 v57, v52  }
0x2d5: {  	(xrf2) =	vadd.scan.msk.f32 $0xffff, v0  }
0x2d6: {  	v62 =	vadd.f32 v2, v1;
	_ =	sdelay $0x1  }
0x2d7: {  	(xrf2) =	vadd.scan.msk.f32 $0xffff, v62;
	_ =	sdelay $0x6  }
0x2d8: {  	v63, _, _ =	vpop (xrf2)  }
0x2d9: {  	(v2sf) =	vpush v63, $0xF;
	_ =	sdelay $0x1  }
0x2da: {  	v52, _, _ =	vpop (xrf2)  }
0x2db: {  	(v2sf) =	vpush v52, $0xF;
	_ =	sdelay $0x2  }
0x2dc: {  	v59 =	vsub.f32 v24, v48;
	v16 =	vsub.f32 v16, v43;
	s4 =	spop (v2sf)  }
0x2dd: {  	v17 =	vsub.f32 v17, v43;
	v18 =	vsub.f32 v18, v43;
	s5 =	smul.f32 $7.812500000e-03, s4;
	s14 =	spop (v2sf)  }
0x2de: {  	v21 =	vsub.f32 v21, v43;
	v20 =	vsub.f32 v20, v43;
	v16 =	vmul.f32 v39, v16;
	s21 =	smul.f32 $7.812500000e-03, s14  }
0x2df: {  	v55 =	vsub.f32 $1.500000000e+00, v51;
	v17 =	vmul.f32 v39, v17;
	v18 =	vmul.f32 v39, v18;
	s22 =	smul.f32 s5, s5  }
0x2e0: {  	v19 =	vsub.f32 v19, v43;
	v21 =	vmul.f32 v39, v21;
	v20 =	vmul.f32 v39, v20  }
0x2e1: {  	v22 =	vsub.f32 v22, v43;
	v0 =	vmul.f32 v55, v56;
	v16 =	vmul.f32 v16, v13;
	s4 =	ssub.f32 s21, s22  }
0x2e2: {  	v42 =	vadd.f32 v42, v5;
	v17 =	vmul.f32 v17, v11;
	v18 =	vmul.f32 v18, v9  }
0x2e3: {  	v21 =	vmul.f32 v21, v6;
	v20 =	vmul.f32 v20, v4;
	v58 =	vmov s4  }
0x2e4: {  	v60 =	vmul.f32 v0, v49;
	v47 =	vmul.f32 v0, v47;
	v2 =	vadd.f32 $9.999999960e-13, v58  }
0x2e5: {  	v57 =	vsub.f32 v23, v48;
	v61 =	vmul.f32 v0, v50;
	v62 =	vmul.f32 v0, v53;
	s24 =	spop (v2sf)  }
0x2e6: {  	v55 =	vld [tilespmem:$0x1FF60];
	v45 =	vmul.f32 v0, v45;
	v16 =	vadd.f32 v16, v12;
	v2 =	vbroadcast v2, $0x0;
	s4 =	smul.f32 $7.812500000e-03, s24  }
0x2e7: {  	v1 =	vmul.f32 v0, v57;
	v17 =	vadd.f32 v17, v10;
	v18 =	vadd.f32 v18, v8  }
0x2e8: {  	v24 =	vmul.f32 v60, v13;
	v56 =	vshrl.u32 v2, $0x1;
	v2 =	vmul.f32 $5.000000000e-01, v2;
	s15 =	spop (v2sf);
	s25 =	smul.f32 s4, s4  }
0x2e9: {  	v47 =	vmul.f32 v47, v11;
	v48 =	vmul.f32 v61, v9;
	v51 =	vsub.s32 $0x5F3759DF, v56;
	s15 =	smul.f32 $7.812500000e-03, s15  }
0x2ea: {  	v21 =	vadd.f32 v21, v7;
	v49 =	vmul.f32 v62, v6;
	v57 =	vmul.f32 v51, v2  }
0x2eb: {  	v45 =	vmul.f32 v45, v4;
	v40 =	vadd.f32 v40, v55;
	v20 =	vadd.f32 v20, v55;
	s14 =	ssub.f32 s15, s25  }
0x2ec: {  	v24 =	vadd.f32 v24, v12;
	v47 =	vadd.f32 v47, v10;
	v23 =	vmul.f32 v51, v57  }
0x2ed: {  	v48 =	vadd.f32 v48, v8;
	v49 =	vadd.f32 v49, v7;
	v58 =	vmov s14  }
0x2ee: {  	v1 =	vmul.f32 v1, v3;
	v56 =	vld [tilespmem:$0x1FF70];
	v23 =	vsub.f32 $1.500000000e+00, v23;
	v43 =	vadd.f32 $9.999999960e-13, v58  }
0x2ef: {  	v45 =	vadd.f32 v45, v55;
	v63 =	vmul.f32 v0, v54;
	v0 =	vmul.f32 v0, v59;
	v54 =	vld [tilespmem:$0x1FDE0]  }
0x2f0: {  	v53 =	vmov s5;
	v23 =	vmul.f32 v51, v23;
	v43 =	vbroadcast v43, $0x0  }
0x2f1: {  	v61 =	vsub.f32 v30, v53;
	v38 =	vsub.f32 v38, v53;
	v0 =	vmul.f32 v0, v15  }
0x2f2: {  	v2 =	vmul.f32 v23, v2;
	v59 =	vshrl.u32 v43, $0x1;
	v43 =	vmul.f32 $5.000000000e-01, v43  }
0x2f3: {  	v0 =	vadd.f32 v0, v14;
	v50 =	vmul.f32 v63, v56;
	v51 =	vsub.s32 $0x5F3759DF, v59  }
0x2f4: {  	v41 =	vadd.f32 v41, v54;
	[tilespmem:s0+$0x4540] =	vst v42;
	v2 =	vmul.f32 v2, v23;
	v60 =	vmul.f32 v51, v43  }
0x2f5: {  	v19 =	vmul.f32 v39, v19;
	v1 =	vadd.f32 v1, v54;
	[tilespmem:s0+$0x4550] =	vst v40;
	v63 =	vadd.f32 v50, v5  }
0x2f6: {  	[tilespmem:s6+$0x44A0] =	vst v48;
	v48 =	vmov s4;
	v2 =	vsub.f32 $1.500000000e+00, v2;
	v52 =	vmul.f32 v51, v60  }
0x2f7: {  	v22 =	vmul.f32 v39, v22;
	[tilespmem:s0+$0x4560] =	vst v41;
	v25 =	vsub.f32 v25, v48;
	v26 =	vsub.f32 v26, v48  }
0x2f8: {  	[tilespmem:s6+$0x4480] =	vst v24;
	v27 =	vsub.f32 v27, v48;
	v2 =	vmul.f32 v2, v23;
	v62 =	vsub.f32 $1.500000000e+00, v52  }
0x2f9: {  	v22 =	vmul.f32 v22, v3;
	[tilespmem:s6+$0x44B0] =	vst v49;
	v49 =	vsub.f32 v28, v48;
	v50 =	vsub.f32 v29, v48  }
0x2fa: {  	[tilespmem:s6+$0x4490] =	vst v47;
	v57 =	vsub.f32 v46, v48;
	v23 =	vmul.f32 v2, v61;
	v30 =	vmul.f32 v51, v62  }
0x2fb: {  	[tilespmem:s6+$0x44D0] =	vst v45;
	v19 =	vmul.f32 v19, v56;
	v61 =	vsub.f32 v36, v53;
	v59 =	vsub.f32 v32, v53  }
0x2fc: {  	[tilespmem:s6+$0x4510] =	vst v17;
	v58 =	vsub.f32 v33, v53;
	v23 =	vmul.f32 v23, v15;
	v47 =	vmul.f32 v30, v43  }
0x2fd: {  	[tilespmem:s6+$0x4520] =	vst v18;
	v33 =	vsub.f32 v35, v53;
	v18 =	vmul.f32 v2, v61;
	v17 =	vmul.f32 v2, v59  }
0x2fe: {  	[tilespmem:s6+$0x44E0] =	vst v1;
	v60 =	vsub.f32 v34, v53;
	v52 =	vsub.f32 v44, v48;
	v24 =	vmul.f32 v47, v30  }
0x2ff: {  	[tilespmem:s6+$0x44F0] =	vst v0;
	v44 =	vmul.f32 v2, v58;
	v58 =	vmul.f32 v2, v33;
	v62 =	vsub.f32 v37, v53  }
0x300: {  	[tilespmem:s6+$0x4500] =	vst v16;
	v51 =	vsub.f32 v31, v48;
	v48 =	vmul.f32 v2, v60;
	v24 =	vsub.f32 $1.500000000e+00, v24  }
0x301: {  	[tilespmem:s6+$0x4530] =	vst v21;
	v53 =	vmul.f32 v2, v62;
	v2 =	vmul.f32 v2, v38  }
0x302: {  	[tilespmem:s6+$0x4550] =	vst v20;
	v19 =	vadd.f32 v19, v5;
	v59 =	vmul.f32 v18, v6;
	v24 =	vmul.f32 v24, v30  }
0x303: {  	[tilespmem:s6+$0x44C0] =	vst v63;
	v36 =	vadd.f32 v22, v54;
	v61 =	vmul.f32 v58, v4;
	v2 =	vmul.f32 v2, v3  }
0x304: {  	[tilespmem:s6+$0x4540] =	vst v19;
	v23 =	vadd.f32 v23, v14;
	v1 =	vmul.f32 v24, v49;
	v49 =	vmul.f32 v44, v13  }
0x305: {  	[tilespmem:s6+$0x4560] =	vst v36;
	v62 =	vadd.f32 v61, v55;
	v0 =	vmul.f32 v24, v51;
	v51 =	vmul.f32 v17, v11  }
0x306: {  	[tilespmem:s3+$0x4570] =	vst v23;
	v25 =	vmul.f32 v24, v25;
	v16 =	vmul.f32 v24, v57;
	v57 =	vadd.f32 v49, v12  }
0x307: {  	[tilespmem:s3+$0x4550] =	vst v62;
	v26 =	vmul.f32 v24, v26;
	v63 =	vmul.f32 v24, v27;
	v60 =	vadd.f32 v51, v10  }
0x308: {  	v34 =	vmul.f32 v25, v13;
	v1 =	vmul.f32 v1, v6;
	v6 =	vadd.f32 v59, v7;
	[tilespmem:s3+$0x4500] =	vst v57  }
0x309: {  	v37 =	vmul.f32 v26, v11;
	v39 =	vmul.f32 v63, v9;
	v63 =	vadd.f32 v2, v54;
	[tilespmem:s3+$0x4510] =	vst v60  }
0x30a: {  	v35 =	vmul.f32 v24, v50;
	v40 =	vadd.f32 v34, v12;
	[tilespmem:s3+$0x4530] =	vst v6  }
0x30b: {  	v41 =	vadd.f32 v37, v10;
	[tilespmem:s3+$0x4560] =	vst v63  }
0x30c: {  	v42 =	vmul.f32 v24, v52;
	v43 =	vmul.f32 v35, v56;
	v20 =	vadd.f32 v39, v8;
	[tilespmem:s3+$0x4480] =	vst v40  }
0x30d: {  	v0 =	vmul.f32 v0, v4;
	v1 =	vadd.f32 v1, v7;
	[tilespmem:s3+$0x4490] =	vst v41  }
0x30e: {  	v45 =	vmul.f32 v42, v3;
	v46 =	vadd.f32 v43, v5;
	[tilespmem:s3+$0x44A0] =	vst v20  }
0x30f: {  	v47 =	vmul.f32 v16, v15;
	v0 =	vadd.f32 v0, v55;
	[tilespmem:s3+$0x44B0] =	vst v1  }
0x310: {  	v50 =	vadd.f32 v45, v54;
	[tilespmem:s3+$0x44C0] =	vst v46;
	v1 =	vmul.f32 v48, v9  }
0x311: {  	v52 =	vadd.f32 v47, v14;
	[tilespmem:s3+$0x44D0] =	vst v0;
	v0 =	vmul.f32 v53, v56  }
0x312: {  	[tilespmem:s3+$0x44E0] =	vst v50;
	v1 =	vadd.f32 v1, v8  }
0x313: {  	[tilespmem:s3+$0x44F0] =	vst v52;
	v0 =	vadd.f32 v0, v5  }
0x314: {  	[tilespmem:s3+$0x4520] =	vst v1  }
0x315: {  	s31 =	sadd.s32 $0x1, s31;
	[tilespmem:s3+$0x4540] =	vst v0  }
0x316: {  	[hbm4b:s11+s7] =	stream.linear.scatter [tilespmem:s23], [sflag:$0x5], $0x4000, $0x38;
	[tilespmem:$0x10680] =	vst v63  }
0x317: {  	p0 =	sne.s32 s31, s12;
	_ =	swait.ge [sflag:s30], $0x4000  }
.Ltmp3:
0x318: {  	[sflag:s30] =	ssyncset.done $0x0;
	(pc) =	sbr.rel @p0 .LBB2_1-.Ltmp3, $4  }
0x319: {  	[sflag:s30] =	ssyncadd.s32 $0xFFFFC000  }
0x31a: {  	_ =	swait.ge [sflag:s30], $0x4000  }
0x31b: {  	[sflag:s30] =	ssyncset.done $0x0  }
0x31c: {  	[sflag:s30] =	ssyncadd.s32 $0xFFFFC000  }
0x31d: {  	_ =	sfence.sel $0x180000  }
0x31e: {  	[bflag:$0x0] =	sbarrier.arrive $0xFFFF  }
0x31f: {  	_ =	strace $0x90000047  }
0x320: {  	s0 =	stileid.u32;
	[bflag:$0x2] =	sbarrier.arrive $0xFFFF  }
0x321: {  	p0 =	sne.s32 s0, $0x0;
	s0 =	rddreg [dreg:$0x8]  }
0x322: {  	s0 =	sadd.s32 @!p0 $0x100000, s0  }
0x323: {  	[sflag:s0] =	ssyncadd.tile.s32 @!p0 $0x1;
	_ =	shalt  }
.Lfunc_end2:
_tile_overlayer_lowered:
.L_overlay_start_2:
0x324: {  	(tag) =	ssettag $0x2  }
0x325: {  	s0 =	rddreg [dreg:$0x0];
	s2 =	stileid.u32  }
0x326: {  	s1 =	rddreg [dreg:$0x1];
	p0 =	sne.s32 s2, $0x0  }
0x327: {  	s3 =	rddreg [dreg:$0x2];
	[bflag:$0x3] =	sbarrier.arrive $0xFFFF;
	s2 =	simm.s32 @!p0 $0x1C06  }
0x328: {  	[timem:s3], [sflag:s2] =	dma.local @!p0 [hbm:s0], s1  }
0x329: {  	s0 =	simm.s32 @!p0 $0x6  }
0x32a: {  	_ =	swait.ge @!p0 [sflag:s0], s1  }
0x32b: {  	s1 =	ssub.s32 @!p0 $0x0, s1;
	[sflag:s0] =	ssyncset.done @!p0 $0x0  }
0x32c: {  	[sflag:s0] =	ssyncadd.s32 @!p0 s1  }
0x32d: {  	[bflag:$0x3] =	sbarrier.arrive $0xFFFF  }
0x32e: {  	_ =	shalt  }

</sc_bundles>
